<compile_context>
chip_gen: v7x
topology: tpu7x:2x2x1
jax: 0.10.2.dev20260603
libtpu: 0.0.44.dev20260713+nightly
codegen_flags: <defaults>
</compile_context>

<pallas_src>
import functools

import jax
import jax.numpy as jnp
from jax import lax
from jax.experimental import pallas as pl
from jax.experimental.pallas import tpu as pltpu
from jax.experimental.pallas import tpu_sc as plsc

_TOKENS = 8192
_D_MODEL = 2048
_NUM_EXPERTS = 64
_TOP_K = 8
_NW = 32
_L = 16
_BLK_T = 1024
_NCHUNK = 2
_CTOK = _TOKENS // _NCHUNK
_TPW = _CTOK // _NW
_WVOL = _NUM_EXPERTS * _TPW
_WIDX = _TOP_K * _TPW


def _logits_block(x_ref, w_ref, b_ref, noise_ref, out_ref):
    x = x_ref[...]
    w = w_ref[...]
    l = jax.lax.dot_general(w, x, (((1,), (1,)), ((), ())),
                            preferred_element_type=jnp.float32)
    l = l + b_ref[...] + noise_ref[...]
    for k in range(_BLK_T // _TPW):
        out_ref[k] = l[:, k * _TPW:(k + 1) * _TPW]


def _compute_logits(x, W, b2, noise, chunk):
    nblk = _CTOK // _BLK_T
    off = chunk * nblk
    return pl.pallas_call(
        _logits_block,
        grid=(nblk,),
        in_specs=[
            pl.BlockSpec((_BLK_T, _D_MODEL), lambda i: (i + off, 0)),
            pl.BlockSpec((_NUM_EXPERTS, _D_MODEL), lambda i: (0, 0)),
            pl.BlockSpec((_NUM_EXPERTS, 1), lambda i: (0, 0)),
            pl.BlockSpec((_NUM_EXPERTS, _BLK_T), lambda i: (0, i + off)),
        ],
        out_specs=pl.BlockSpec((_BLK_T // _TPW, _NUM_EXPERTS, _TPW),
                               lambda i: (i, 0, 0)),
        out_shape=jax.ShapeDtypeStruct((_NW, _NUM_EXPERTS, _TPW), jnp.float32),
    )(x, W, b2, noise)


_sc_mesh = plsc.VectorSubcoreMesh(core_axis_name="c", subcore_axis_name="s")


@functools.partial(
    pl.kernel,
    mesh=_sc_mesh,
    out_type=[
        jax.ShapeDtypeStruct((_NW, _NUM_EXPERTS, _TPW), jnp.float32),
        jax.ShapeDtypeStruct((_NW, _TOP_K, _TPW), jnp.int32),
    ],
    scratch_types=[
        pltpu.VMEM((_NUM_EXPERTS, _TPW), jnp.float32),
        pltpu.VMEM((_NUM_EXPERTS, _TPW), jnp.float32),
        pltpu.VMEM((_TOP_K, _TPW), jnp.int32),
    ],
    compiler_params=pltpu.CompilerParams(needs_layout_passes=False),
)
def _sc_topk_softmax(logits_hbm, zeros_hbm, out_hbm, idx_hbm, l_v, o_v, i_v):
    w = lax.axis_index("s") * 2 + lax.axis_index("c")
    pltpu.sync_copy(logits_hbm.at[w], l_v)
    pltpu.sync_copy(zeros_hbm, o_v)
    lanes = lax.iota(jnp.int32, _L)

    _GPB = 1

    def group_body(g, _):
        col = pl.multiple_of(g * (_L * _GPB), _L)

        def expert_body(e, carry):
            ei0 = jnp.zeros((_L,), jnp.int32) + e
            out = []
            for s in range(_GPB):
                ts = carry[s * 2 * _TOP_K: s * 2 * _TOP_K + _TOP_K]
                iz = carry[s * 2 * _TOP_K + _TOP_K: (s + 1) * 2 * _TOP_K]
                v = l_v[e, pl.ds(col + s * _L, _L)]
                ei = ei0
                nts, nis = [], []
                for j in range(_TOP_K):
                    gt = v > ts[j]
                    nts.append(jnp.where(gt, v, ts[j]))
                    nis.append(jnp.where(gt, ei, iz[j]))
                    v = jnp.where(gt, ts[j], v)
                    ei = jnp.where(gt, iz[j], ei)
                out += nts + nis
            return tuple(out)

        init = tuple(
            jnp.full((_L,), -jnp.inf, jnp.float32) if (k // _TOP_K) % 2 == 0
            else jnp.zeros((_L,), jnp.int32)
            for k in range(2 * _TOP_K * _GPB))
        carry = lax.fori_loop(0, _NUM_EXPERTS, expert_body, init)
        for s in range(_GPB):
            ts = carry[s * 2 * _TOP_K: s * 2 * _TOP_K + _TOP_K]
            iz = carry[s * 2 * _TOP_K + _TOP_K: (s + 1) * 2 * _TOP_K]
            m0 = ts[0]
            exps = [jnp.exp(ts[j] - m0) for j in range(_TOP_K)]
            z = exps[0]
            for j in range(1, _TOP_K):
                z = z + exps[j]
            toks = col + s * _L + lanes
            for j in range(_TOP_K):
                plsc.store_scatter(o_v, [iz[j], toks], exps[j] / z)
                i_v[j, pl.ds(col + s * _L, _L)] = iz[j]
        return 0

    lax.fori_loop(0, _TPW // (_L * _GPB), group_body, 0)
    pltpu.sync_copy(o_v, out_hbm.at[w])
    pltpu.sync_copy(i_v, idx_hbm.at[w])


def kernel(x, W, b, noise):
    noise_t = noise.T
    b2 = b.reshape(_NUM_EXPERTS, 1)
    zeros = jnp.zeros((_NUM_EXPERTS, _TPW), jnp.float32)
    outs, idxs = [], []
    for c in range(_NCHUNK):
        logits3 = _compute_logits(x, W, b2, noise_t, c)
        out3, idx3 = _sc_topk_softmax(logits3, zeros)
        outs.append(out3.transpose(0, 2, 1).reshape(_CTOK, _NUM_EXPERTS))
        idxs.append(idx3.transpose(0, 2, 1).reshape(_CTOK, _TOP_K))
    return (jnp.concatenate(outs, axis=0), jnp.concatenate(idxs, axis=0))

# --- scband reference (transcript-rebuilt; emitter-appended) ---
"""Pipeline reference for scband-dynamic-router-56324201119926 (READ-ONLY COPY).

The authoritative reference and input builder live on the scoring server;
editing this copy changes nothing except your own understanding.
"""

import jax, jax.numpy as jnp
import numpy as np

TOKENS = 8192
D_MODEL = 2048
NUM_EXPERTS = 64
TOP_K = 8
NOISE_STD = 0.1


def setup_inputs(seed: int = 0) -> dict:
    key = jax.random.key(seed)
    k1, k2, k3, k4 = jax.random.split(key, 4)
    x = jax.random.normal(k1, (TOKENS, D_MODEL), dtype=jnp.float32)
    # nn.Linear(input_dim, num_experts): weight [num_experts, input_dim], bias [num_experts]
    W = jax.random.normal(k2, (NUM_EXPERTS, D_MODEL), dtype=jnp.float32) * 0.02
    b = jnp.zeros((NUM_EXPERTS,), dtype=jnp.float32)
    # torch.randn_like(logits) * noise_std, materialized for determinism
    noise = jax.random.normal(k3, (TOKENS, NUM_EXPERTS), dtype=jnp.float32) * NOISE_STD
    return {"x": x, "W": W, "b": b, "noise": noise}


def reference(x, W, b, noise):
    # logits = self.linear(x)
    logits = x @ W.T + b
    # logits += noise
    logits = logits + noise
    # top_k_logits, top_k_indices = logits.topk(self.top_k, dim=-1)
    top_k_logits, top_k_indices = jax.lax.top_k(logits, TOP_K)
    # zeros = full_like(logits, -inf); sparse_logits = zeros.scatter(-1, idx, vals)
    rows = jnp.arange(logits.shape[0])[:, None]
    sparse_logits = jnp.full_like(logits, -jnp.inf).at[rows, top_k_indices].set(top_k_logits)
    # router_output = softmax(sparse_logits, dim=-1)
    router_output = jax.nn.softmax(sparse_logits, axis=-1)
    return (router_output, top_k_indices)

if __name__ == "__main__":
    import jax
    _d = setup_inputs()
    print(jax.jit(kernel)(*tuple(_d.values())))

</pallas_src>

<mosaic_0001>
#map = affine_map<(d0, d1) -> (0, 0, 0)>
#map1 = affine_map<(d0, d1) -> (0, 0)>
module attributes {stable_mosaic.version = 14 : i64} {
  func.func @_sc_topk_softmax(%arg0: i32, %arg1: i32, %arg2: memref<32x64x128xf32, #tpu.memory_space<hbm>>, %arg3: memref<64x128xf32, #tpu.memory_space<hbm>>, %arg4: memref<32x64x128xf32, #tpu.memory_space<hbm>>, %arg5: memref<32x8x128xi32, #tpu.memory_space<hbm>>, %arg6: memref<64x128xf32, #tpu.memory_space<vmem>>, %arg7: memref<64x128xf32, #tpu.memory_space<vmem>>, %arg8: memref<8x128xi32, #tpu.memory_space<vmem>>) attributes {dimension_semantics = [#tpu.dimension_semantics<core_parallel>, #tpu.dimension_semantics<subcore_parallel>], iteration_bounds = array<i64: 2, 16>, scalar_prefetch = 0 : i64, scratch_operands = 3 : i64, tpu.core_type = #tpu.core_type<sc_vector_subcore>, window_params = [{transform_indices = #map}, {transform_indices = #map1}, {transform_indices = #map}, {transform_indices = #map}]} {
    %mul3A = arith.constant 2 : i32
    %mul3A_0 = arith.muli %arg1, %mul3A : i32
    %add3A = arith.addi %mul3A_0, %arg0 : i32
    "tpu.region"() ({
      %run_scoped3A = tpu.sem_alloc : memref<!tpu.dma_semaphore, #tpu.memory_space<semaphore_mem>>
      %dma_start3A = arith.constant 0 : i32
      %dma_start3A_7 = arith.constant 0 : i32
      %dma_start3A_8 = tpu.memref_slice %arg2[%add3A, %dma_start3A, %dma_start3A_7] : memref<32x64x128xf32, #tpu.memory_space<hbm>> -> memref<1x64x128xf32, #tpu.memory_space<hbm>>
      %dma_start3A_9 = tpu.memref_squeeze %dma_start3A_8 : memref<1x64x128xf32, #tpu.memory_space<hbm>> -> memref<64x128xf32, #tpu.memory_space<hbm>>
      %dma_start3A_10 = arith.constant 0 : i32
      %dma_start3A_11 = arith.constant 0 : i32
      %dma_start3A_12 = tpu.memref_slice %arg2[%add3A, %dma_start3A_10, %dma_start3A_11] : memref<32x64x128xf32, #tpu.memory_space<hbm>> -> memref<1x64x128xf32, #tpu.memory_space<hbm>>
      %dma_start3A_13 = tpu.memref_squeeze %dma_start3A_12 : memref<1x64x128xf32, #tpu.memory_space<hbm>> -> memref<64x128xf32, #tpu.memory_space<hbm>>
      tpu.enqueue_dma source(%dma_start3A_13 : memref<64x128xf32, #tpu.memory_space<hbm>>) target(%arg6 : memref<64x128xf32, #tpu.memory_space<vmem>>) target_semaphore(%run_scoped3A : memref<!tpu.dma_semaphore, #tpu.memory_space<semaphore_mem>>)
      %dma_wait3A = arith.constant 0 : i32
      %dma_wait3A_14 = arith.constant 0 : i32
      %dma_wait3A_15 = tpu.memref_slice %arg2[%add3A, %dma_wait3A, %dma_wait3A_14] : memref<32x64x128xf32, #tpu.memory_space<hbm>> -> memref<1x64x128xf32, #tpu.memory_space<hbm>>
      %dma_wait3A_16 = tpu.memref_squeeze %dma_wait3A_15 : memref<1x64x128xf32, #tpu.memory_space<hbm>> -> memref<64x128xf32, #tpu.memory_space<hbm>>
      %dma_wait3A_17 = arith.constant 0 : i32
      %dma_wait3A_18 = arith.constant 0 : i32
      %dma_wait3A_19 = tpu.memref_slice %arg2[%add3A, %dma_wait3A_17, %dma_wait3A_18] : memref<32x64x128xf32, #tpu.memory_space<hbm>> -> memref<1x64x128xf32, #tpu.memory_space<hbm>>
      %dma_wait3A_20 = tpu.memref_squeeze %dma_wait3A_19 : memref<1x64x128xf32, #tpu.memory_space<hbm>> -> memref<64x128xf32, #tpu.memory_space<hbm>>
      tpu.wait_dma2 semaphore(%run_scoped3A : memref<!tpu.dma_semaphore, #tpu.memory_space<semaphore_mem>>) src(%dma_wait3A_20 : memref<64x128xf32, #tpu.memory_space<hbm>>) dst(%arg6 : memref<64x128xf32, #tpu.memory_space<vmem>>)
      tpu.yield
    }) : () -> ()
    "tpu.region"() ({
      %run_scoped3A = tpu.sem_alloc : memref<!tpu.dma_semaphore, #tpu.memory_space<semaphore_mem>>
      tpu.enqueue_dma source(%arg3 : memref<64x128xf32, #tpu.memory_space<hbm>>) target(%arg7 : memref<64x128xf32, #tpu.memory_space<vmem>>) target_semaphore(%run_scoped3A : memref<!tpu.dma_semaphore, #tpu.memory_space<semaphore_mem>>)
      tpu.wait_dma2 semaphore(%run_scoped3A : memref<!tpu.dma_semaphore, #tpu.memory_space<semaphore_mem>>) src(%arg3 : memref<64x128xf32, #tpu.memory_space<hbm>>) dst(%arg7 : memref<64x128xf32, #tpu.memory_space<vmem>>)
      tpu.yield
    }) : () -> ()
    %iota3A = tpu.iota {dimensions = array<i32: 0>} : vector<16xi32>
    %scan3A = arith.constant 0 : i32
    %scan3A_1 = arith.constant 0 : i32
    %scan3A_2 = arith.constant 8 : i32
    %scan3A_3 = arith.addi %scan3A_1, %scan3A_2 : i32
    %scan3A_4 = arith.constant 1 : i32
    %scan3A_5 = scf.for %scan3A_7 = %scan3A_1 to %scan3A_3 step %scan3A_4 iter_args(%scan3A_8 = %scan3A) -> (i32)  : i32 {
      %mul3A_9 = arith.constant 16 : i32
      %mul3A_10 = arith.muli %scan3A_7, %mul3A_9 : i32
      %multiple_of3A = tpu.assume_multiple %mul3A_10, 16 : i32
      %broadcast_in_dim3A = arith.constant 0xFF800000 : f32
      %broadcast_in_dim3A_11 = vector.broadcast %broadcast_in_dim3A : f32 to vector<16xf32>
      %broadcast_in_dim3A_12 = arith.constant 0xFF800000 : f32
      %broadcast_in_dim3A_13 = vector.broadcast %broadcast_in_dim3A_12 : f32 to vector<16xf32>
      %broadcast_in_dim3A_14 = arith.constant 0xFF800000 : f32
      %broadcast_in_dim3A_15 = vector.broadcast %broadcast_in_dim3A_14 : f32 to vector<16xf32>
      %broadcast_in_dim3A_16 = arith.constant 0xFF800000 : f32
      %broadcast_in_dim3A_17 = vector.broadcast %broadcast_in_dim3A_16 : f32 to vector<16xf32>
      %broadcast_in_dim3A_18 = arith.constant 0xFF800000 : f32
      %broadcast_in_dim3A_19 = vector.broadcast %broadcast_in_dim3A_18 : f32 to vector<16xf32>
      %broadcast_in_dim3A_20 = arith.constant 0xFF800000 : f32
      %broadcast_in_dim3A_21 = vector.broadcast %broadcast_in_dim3A_20 : f32 to vector<16xf32>
      %broadcast_in_dim3A_22 = arith.constant 0xFF800000 : f32
      %broadcast_in_dim3A_23 = vector.broadcast %broadcast_in_dim3A_22 : f32 to vector<16xf32>
      %broadcast_in_dim3A_24 = arith.constant 0xFF800000 : f32
      %broadcast_in_dim3A_25 = vector.broadcast %broadcast_in_dim3A_24 : f32 to vector<16xf32>
      %broadcast_in_dim3A_26 = arith.constant 0 : i32
      %broadcast_in_dim3A_27 = vector.broadcast %broadcast_in_dim3A_26 : i32 to vector<16xi32>
      %broadcast_in_dim3A_28 = arith.constant 0 : i32
      %broadcast_in_dim3A_29 = vector.broadcast %broadcast_in_dim3A_28 : i32 to vector<16xi32>
      %broadcast_in_dim3A_30 = arith.constant 0 : i32
      %broadcast_in_dim3A_31 = vector.broadcast %broadcast_in_dim3A_30 : i32 to vector<16xi32>
      %broadcast_in_dim3A_32 = arith.constant 0 : i32
      %broadcast_in_dim3A_33 = vector.broadcast %broadcast_in_dim3A_32 : i32 to vector<16xi32>
      %broadcast_in_dim3A_34 = arith.constant 0 : i32
      %broadcast_in_dim3A_35 = vector.broadcast %broadcast_in_dim3A_34 : i32 to vector<16xi32>
      %broadcast_in_dim3A_36 = arith.constant 0 : i32
      %broadcast_in_dim3A_37 = vector.broadcast %broadcast_in_dim3A_36 : i32 to vector<16xi32>
      %broadcast_in_dim3A_38 = arith.constant 0 : i32
      %broadcast_in_dim3A_39 = vector.broadcast %broadcast_in_dim3A_38 : i32 to vector<16xi32>
      %broadcast_in_dim3A_40 = arith.constant 0 : i32
      %broadcast_in_dim3A_41 = vector.broadcast %broadcast_in_dim3A_40 : i32 to vector<16xi32>
      %scan3A_42 = arith.constant 0 : i32
      %scan3A_43 = arith.constant 64 : i32
      %scan3A_44 = arith.addi %scan3A_42, %scan3A_43 : i32
      %scan3A_45 = arith.constant 1 : i32
      %scan3A_46:16 = scf.for %scan3A_128 = %scan3A_42 to %scan3A_44 step %scan3A_45 iter_args(%scan3A_129 = %broadcast_in_dim3A_11, %scan3A_130 = %broadcast_in_dim3A_13, %scan3A_131 = %broadcast_in_dim3A_15, %scan3A_132 = %broadcast_in_dim3A_17, %scan3A_133 = %broadcast_in_dim3A_19, %scan3A_134 = %broadcast_in_dim3A_21, %scan3A_135 = %broadcast_in_dim3A_23, %scan3A_136 = %broadcast_in_dim3A_25, %scan3A_137 = %broadcast_in_dim3A_27, %scan3A_138 = %broadcast_in_dim3A_29, %scan3A_139 = %broadcast_in_dim3A_31, %scan3A_140 = %broadcast_in_dim3A_33, %scan3A_141 = %broadcast_in_dim3A_35, %scan3A_142 = %broadcast_in_dim3A_37, %scan3A_143 = %broadcast_in_dim3A_39, %scan3A_144 = %broadcast_in_dim3A_41) -> (vector<16xf32>, vector<16xf32>, vector<16xf32>, vector<16xf32>, vector<16xf32>, vector<16xf32>, vector<16xf32>, vector<16xf32>, vector<16xi32>, vector<16xi32>, vector<16xi32>, vector<16xi32>, vector<16xi32>, vector<16xi32>, vector<16xi32>, vector<16xi32>)  : i32 {
        %broadcast_in_dim3A_145 = arith.constant 0 : i32
        %broadcast_in_dim3A_146 = vector.broadcast %broadcast_in_dim3A_145 : i32 to vector<16xi32>
        %add3A_147 = vector.broadcast %scan3A_128 : i32 to vector<16xi32>
        %add3A_148 = arith.addi %broadcast_in_dim3A_146, %add3A_147 : vector<16xi32>
        %add3A_149 = arith.constant 0 : i32
        %add3A_150 = arith.addi %multiple_of3A, %add3A_149 : i32
        %get3A = arith.index_cast %scan3A_128 : i32 to index
        %get3A_151 = arith.index_cast %add3A_150 : i32 to index
        %get3A_152 = tpu.vector_load %arg6[%get3A, %get3A_151] {strides = array<i32>} : memref<64x128xf32, #tpu.memory_space<vmem>>, vector<16xf32>,
        %gt3A = arith.cmpf ogt, %get3A_152, %scan3A_129 : vector<16xf32>
        %select_n3A = arith.select %gt3A, %get3A_152, %scan3A_129 : vector<16xi1>, vector<16xf32>
        %select_n3A_153 = arith.select %gt3A, %add3A_148, %scan3A_137 : vector<16xi1>, vector<16xi32>
        %select_n3A_154 = arith.select %gt3A, %scan3A_129, %get3A_152 : vector<16xi1>, vector<16xf32>
        %select_n3A_155 = arith.select %gt3A, %scan3A_137, %add3A_148 : vector<16xi1>, vector<16xi32>
        %gt3A_156 = arith.cmpf ogt, %select_n3A_154, %scan3A_130 : vector<16xf32>
        %select_n3A_157 = arith.select %gt3A_156, %select_n3A_154, %scan3A_130 : vector<16xi1>, vector<16xf32>
        %select_n3A_158 = arith.select %gt3A_156, %select_n3A_155, %scan3A_138 : vector<16xi1>, vector<16xi32>
        %select_n3A_159 = arith.select %gt3A_156, %scan3A_130, %select_n3A_154 : vector<16xi1>, vector<16xf32>
        %select_n3A_160 = arith.select %gt3A_156, %scan3A_138, %select_n3A_155 : vector<16xi1>, vector<16xi32>
        %gt3A_161 = arith.cmpf ogt, %select_n3A_159, %scan3A_131 : vector<16xf32>
        %select_n3A_162 = arith.select %gt3A_161, %select_n3A_159, %scan3A_131 : vector<16xi1>, vector<16xf32>
        %select_n3A_163 = arith.select %gt3A_161, %select_n3A_160, %scan3A_139 : vector<16xi1>, vector<16xi32>
        %select_n3A_164 = arith.select %gt3A_161, %scan3A_131, %select_n3A_159 : vector<16xi1>, vector<16xf32>
        %select_n3A_165 = arith.select %gt3A_161, %scan3A_139, %select_n3A_160 : vector<16xi1>, vector<16xi32>
        %gt3A_166 = arith.cmpf ogt, %select_n3A_164, %scan3A_132 : vector<16xf32>
        %select_n3A_167 = arith.select %gt3A_166, %select_n3A_164, %scan3A_132 : vector<16xi1>, vector<16xf32>
        %select_n3A_168 = arith.select %gt3A_166, %select_n3A_165, %scan3A_140 : vector<16xi1>, vector<16xi32>
        %select_n3A_169 = arith.select %gt3A_166, %scan3A_132, %select_n3A_164 : vector<16xi1>, vector<16xf32>
        %select_n3A_170 = arith.select %gt3A_166, %scan3A_140, %select_n3A_165 : vector<16xi1>, vector<16xi32>
        %gt3A_171 = arith.cmpf ogt, %select_n3A_169, %scan3A_133 : vector<16xf32>
        %select_n3A_172 = arith.select %gt3A_171, %select_n3A_169, %scan3A_133 : vector<16xi1>, vector<16xf32>
        %select_n3A_173 = arith.select %gt3A_171, %select_n3A_170, %scan3A_141 : vector<16xi1>, vector<16xi32>
        %select_n3A_174 = arith.select %gt3A_171, %scan3A_133, %select_n3A_169 : vector<16xi1>, vector<16xf32>
        %select_n3A_175 = arith.select %gt3A_171, %scan3A_141, %select_n3A_170 : vector<16xi1>, vector<16xi32>
        %gt3A_176 = arith.cmpf ogt, %select_n3A_174, %scan3A_134 : vector<16xf32>
        %select_n3A_177 = arith.select %gt3A_176, %select_n3A_174, %scan3A_134 : vector<16xi1>, vector<16xf32>
        %select_n3A_178 = arith.select %gt3A_176, %select_n3A_175, %scan3A_142 : vector<16xi1>, vector<16xi32>
        %select_n3A_179 = arith.select %gt3A_176, %scan3A_134, %select_n3A_174 : vector<16xi1>, vector<16xf32>
        %select_n3A_180 = arith.select %gt3A_176, %scan3A_142, %select_n3A_175 : vector<16xi1>, vector<16xi32>
        %gt3A_181 = arith.cmpf ogt, %select_n3A_179, %scan3A_135 : vector<16xf32>
        %select_n3A_182 = arith.select %gt3A_181, %select_n3A_179, %scan3A_135 : vector<16xi1>, vector<16xf32>
        %select_n3A_183 = arith.select %gt3A_181, %select_n3A_180, %scan3A_143 : vector<16xi1>, vector<16xi32>
        %select_n3A_184 = arith.select %gt3A_181, %scan3A_135, %select_n3A_179 : vector<16xi1>, vector<16xf32>
        %select_n3A_185 = arith.select %gt3A_181, %scan3A_143, %select_n3A_180 : vector<16xi1>, vector<16xi32>
        %gt3A_186 = arith.cmpf ogt, %select_n3A_184, %scan3A_136 : vector<16xf32>
        %select_n3A_187 = arith.select %gt3A_186, %select_n3A_184, %scan3A_136 : vector<16xi1>, vector<16xf32>
        %select_n3A_188 = arith.select %gt3A_186, %select_n3A_185, %scan3A_144 : vector<16xi1>, vector<16xi32>
        %select_n3A_189 = arith.select %gt3A_186, %scan3A_136, %select_n3A_184 : vector<16xi1>, vector<16xf32>
        %select_n3A_190 = arith.select %gt3A_186, %scan3A_144, %select_n3A_185 : vector<16xi1>, vector<16xi32>
        scf.yield %select_n3A, %select_n3A_157, %select_n3A_162, %select_n3A_167, %select_n3A_172, %select_n3A_177, %select_n3A_182, %select_n3A_187, %select_n3A_153, %select_n3A_158, %select_n3A_163, %select_n3A_168, %select_n3A_173, %select_n3A_178, %select_n3A_183, %select_n3A_188 : vector<16xf32>, vector<16xf32>, vector<16xf32>, vector<16xf32>, vector<16xf32>, vector<16xf32>, vector<16xf32>, vector<16xf32>, vector<16xi32>, vector<16xi32>, vector<16xi32>, vector<16xi32>, vector<16xi32>, vector<16xi32>, vector<16xi32>, vector<16xi32>
      }
      %scan3A_47 = arith.constant 64 : i32
      %sub3A = arith.subf %scan3A_46#0, %scan3A_46#0 : vector<16xf32>
      %exp3A = math.exp %sub3A : vector<16xf32>
      %sub3A_48 = arith.subf %scan3A_46#1, %scan3A_46#0 : vector<16xf32>
      %exp3A_49 = math.exp %sub3A_48 : vector<16xf32>
      %sub3A_50 = arith.subf %scan3A_46#2, %scan3A_46#0 : vector<16xf32>
      %exp3A_51 = math.exp %sub3A_50 : vector<16xf32>
      %sub3A_52 = arith.subf %scan3A_46#3, %scan3A_46#0 : vector<16xf32>
      %exp3A_53 = math.exp %sub3A_52 : vector<16xf32>
      %sub3A_54 = arith.subf %scan3A_46#4, %scan3A_46#0 : vector<16xf32>
      %exp3A_55 = math.exp %sub3A_54 : vector<16xf32>
      %sub3A_56 = arith.subf %scan3A_46#5, %scan3A_46#0 : vector<16xf32>
      %exp3A_57 = math.exp %sub3A_56 : vector<16xf32>
      %sub3A_58 = arith.subf %scan3A_46#6, %scan3A_46#0 : vector<16xf32>
      %exp3A_59 = math.exp %sub3A_58 : vector<16xf32>
      %sub3A_60 = arith.subf %scan3A_46#7, %scan3A_46#0 : vector<16xf32>
      %exp3A_61 = math.exp %sub3A_60 : vector<16xf32>
      %add3A_62 = arith.addf %exp3A, %exp3A_49 : vector<16xf32>
      %add3A_63 = arith.addf %add3A_62, %exp3A_51 : vector<16xf32>
      %add3A_64 = arith.addf %add3A_63, %exp3A_53 : vector<16xf32>
      %add3A_65 = arith.addf %add3A_64, %exp3A_55 : vector<16xf32>
      %add3A_66 = arith.addf %add3A_65, %exp3A_57 : vector<16xf32>
      %add3A_67 = arith.addf %add3A_66, %exp3A_59 : vector<16xf32>
      %add3A_68 = arith.addf %add3A_67, %exp3A_61 : vector<16xf32>
      %add3A_69 = arith.constant 0 : i32
      %add3A_70 = arith.addi %multiple_of3A, %add3A_69 : i32
      %add3A_71 = vector.broadcast %add3A_70 : i32 to vector<16xi32>
      %add3A_72 = arith.addi %add3A_71, %iota3A : vector<16xi32>
      %div3A = arith.divf %exp3A, %add3A_68 : vector<16xf32>
      tpu.vector_store_idx %arg7[%scan3A_46#8, %add3A_72], %div3A : memref<64x128xf32, #tpu.memory_space<vmem>>[vector<16xi32>, vector<16xi32>], vector<16xf32>,
      %add3A_73 = arith.constant 0 : i32
      %add3A_74 = arith.addi %multiple_of3A, %add3A_73 : i32
      %swap3A = arith.constant 0 : i32
      %swap3A_75 = arith.index_cast %swap3A : i32 to index
      %swap3A_76 = arith.index_cast %add3A_74 : i32 to index
      %swap3A_77 = tpu.vector_load %arg8[%swap3A_75, %swap3A_76] {strides = array<i32>} : memref<8x128xi32, #tpu.memory_space<vmem>>, vector<16xi32>,
      tpu.vector_store %arg8[%swap3A_75, %swap3A_76], %scan3A_46#8 {strides = array<i32>} : memref<8x128xi32, #tpu.memory_space<vmem>>, vector<16xi32>,
      %div3A_78 = arith.divf %exp3A_49, %add3A_68 : vector<16xf32>
      tpu.vector_store_idx %arg7[%scan3A_46#9, %add3A_72], %div3A_78 : memref<64x128xf32, #tpu.memory_space<vmem>>[vector<16xi32>, vector<16xi32>], vector<16xf32>,
      %add3A_79 = arith.constant 0 : i32
      %add3A_80 = arith.addi %multiple_of3A, %add3A_79 : i32
      %swap3A_81 = arith.constant 1 : i32
      %swap3A_82 = arith.index_cast %swap3A_81 : i32 to index
      %swap3A_83 = arith.index_cast %add3A_80 : i32 to index
      %swap3A_84 = tpu.vector_load %arg8[%swap3A_82, %swap3A_83] {strides = array<i32>} : memref<8x128xi32, #tpu.memory_space<vmem>>, vector<16xi32>,
      tpu.vector_store %arg8[%swap3A_82, %swap3A_83], %scan3A_46#9 {strides = array<i32>} : memref<8x128xi32, #tpu.memory_space<vmem>>, vector<16xi32>,
      %div3A_85 = arith.divf %exp3A_51, %add3A_68 : vector<16xf32>
      tpu.vector_store_idx %arg7[%scan3A_46#10, %add3A_72], %div3A_85 : memref<64x128xf32, #tpu.memory_space<vmem>>[vector<16xi32>, vector<16xi32>], vector<16xf32>,
      %add3A_86 = arith.constant 0 : i32
      %add3A_87 = arith.addi %multiple_of3A, %add3A_86 : i32
      %swap3A_88 = arith.constant 2 : i32
      %swap3A_89 = arith.index_cast %swap3A_88 : i32 to index
      %swap3A_90 = arith.index_cast %add3A_87 : i32 to index
      %swap3A_91 = tpu.vector_load %arg8[%swap3A_89, %swap3A_90] {strides = array<i32>} : memref<8x128xi32, #tpu.memory_space<vmem>>, vector<16xi32>,
      tpu.vector_store %arg8[%swap3A_89, %swap3A_90], %scan3A_46#10 {strides = array<i32>} : memref<8x128xi32, #tpu.memory_space<vmem>>, vector<16xi32>,
      %div3A_92 = arith.divf %exp3A_53, %add3A_68 : vector<16xf32>
      tpu.vector_store_idx %arg7[%scan3A_46#11, %add3A_72], %div3A_92 : memref<64x128xf32, #tpu.memory_space<vmem>>[vector<16xi32>, vector<16xi32>], vector<16xf32>,
      %add3A_93 = arith.constant 0 : i32
      %add3A_94 = arith.addi %multiple_of3A, %add3A_93 : i32
      %swap3A_95 = arith.constant 3 : i32
      %swap3A_96 = arith.index_cast %swap3A_95 : i32 to index
      %swap3A_97 = arith.index_cast %add3A_94 : i32 to index
      %swap3A_98 = tpu.vector_load %arg8[%swap3A_96, %swap3A_97] {strides = array<i32>} : memref<8x128xi32, #tpu.memory_space<vmem>>, vector<16xi32>,
      tpu.vector_store %arg8[%swap3A_96, %swap3A_97], %scan3A_46#11 {strides = array<i32>} : memref<8x128xi32, #tpu.memory_space<vmem>>, vector<16xi32>,
      %div3A_99 = arith.divf %exp3A_55, %add3A_68 : vector<16xf32>
      tpu.vector_store_idx %arg7[%scan3A_46#12, %add3A_72], %div3A_99 : memref<64x128xf32, #tpu.memory_space<vmem>>[vector<16xi32>, vector<16xi32>], vector<16xf32>,
      %add3A_100 = arith.constant 0 : i32
      %add3A_101 = arith.addi %multiple_of3A, %add3A_100 : i32
      %swap3A_102 = arith.constant 4 : i32
      %swap3A_103 = arith.index_cast %swap3A_102 : i32 to index
      %swap3A_104 = arith.index_cast %add3A_101 : i32 to index
      %swap3A_105 = tpu.vector_load %arg8[%swap3A_103, %swap3A_104] {strides = array<i32>} : memref<8x128xi32, #tpu.memory_space<vmem>>, vector<16xi32>,
      tpu.vector_store %arg8[%swap3A_103, %swap3A_104], %scan3A_46#12 {strides = array<i32>} : memref<8x128xi32, #tpu.memory_space<vmem>>, vector<16xi32>,
      %div3A_106 = arith.divf %exp3A_57, %add3A_68 : vector<16xf32>
      tpu.vector_store_idx %arg7[%scan3A_46#13, %add3A_72], %div3A_106 : memref<64x128xf32, #tpu.memory_space<vmem>>[vector<16xi32>, vector<16xi32>], vector<16xf32>,
      %add3A_107 = arith.constant 0 : i32
      %add3A_108 = arith.addi %multiple_of3A, %add3A_107 : i32
      %swap3A_109 = arith.constant 5 : i32
      %swap3A_110 = arith.index_cast %swap3A_109 : i32 to index
      %swap3A_111 = arith.index_cast %add3A_108 : i32 to index
      %swap3A_112 = tpu.vector_load %arg8[%swap3A_110, %swap3A_111] {strides = array<i32>} : memref<8x128xi32, #tpu.memory_space<vmem>>, vector<16xi32>,
      tpu.vector_store %arg8[%swap3A_110, %swap3A_111], %scan3A_46#13 {strides = array<i32>} : memref<8x128xi32, #tpu.memory_space<vmem>>, vector<16xi32>,
      %div3A_113 = arith.divf %exp3A_59, %add3A_68 : vector<16xf32>
      tpu.vector_store_idx %arg7[%scan3A_46#14, %add3A_72], %div3A_113 : memref<64x128xf32, #tpu.memory_space<vmem>>[vector<16xi32>, vector<16xi32>], vector<16xf32>,
      %add3A_114 = arith.constant 0 : i32
      %add3A_115 = arith.addi %multiple_of3A, %add3A_114 : i32
      %swap3A_116 = arith.constant 6 : i32
      %swap3A_117 = arith.index_cast %swap3A_116 : i32 to index
      %swap3A_118 = arith.index_cast %add3A_115 : i32 to index
      %swap3A_119 = tpu.vector_load %arg8[%swap3A_117, %swap3A_118] {strides = array<i32>} : memref<8x128xi32, #tpu.memory_space<vmem>>, vector<16xi32>,
      tpu.vector_store %arg8[%swap3A_117, %swap3A_118], %scan3A_46#14 {strides = array<i32>} : memref<8x128xi32, #tpu.memory_space<vmem>>, vector<16xi32>,
      %div3A_120 = arith.divf %exp3A_61, %add3A_68 : vector<16xf32>
      tpu.vector_store_idx %arg7[%scan3A_46#15, %add3A_72], %div3A_120 : memref<64x128xf32, #tpu.memory_space<vmem>>[vector<16xi32>, vector<16xi32>], vector<16xf32>,
      %add3A_121 = arith.constant 0 : i32
      %add3A_122 = arith.addi %multiple_of3A, %add3A_121 : i32
      %swap3A_123 = arith.constant 7 : i32
      %swap3A_124 = arith.index_cast %swap3A_123 : i32 to index
      %swap3A_125 = arith.index_cast %add3A_122 : i32 to index
      %swap3A_126 = tpu.vector_load %arg8[%swap3A_124, %swap3A_125] {strides = array<i32>} : memref<8x128xi32, #tpu.memory_space<vmem>>, vector<16xi32>,
      tpu.vector_store %arg8[%swap3A_124, %swap3A_125], %scan3A_46#15 {strides = array<i32>} : memref<8x128xi32, #tpu.memory_space<vmem>>, vector<16xi32>,
      %scan3A_127 = arith.constant 0 : i32
      scf.yield %scan3A_127 : i32
    }
    %scan3A_6 = arith.constant 8 : i32
    "tpu.region"() ({
      %run_scoped3A = tpu.sem_alloc : memref<!tpu.dma_semaphore, #tpu.memory_space<semaphore_mem>>
      %dma_start3A = arith.constant 0 : i32
      %dma_start3A_7 = arith.constant 0 : i32
      %dma_start3A_8 = tpu.memref_slice %arg4[%add3A, %dma_start3A, %dma_start3A_7] : memref<32x64x128xf32, #tpu.memory_space<hbm>> -> memref<1x64x128xf32, #tpu.memory_space<hbm>>
      %dma_start3A_9 = tpu.memref_squeeze %dma_start3A_8 : memref<1x64x128xf32, #tpu.memory_space<hbm>> -> memref<64x128xf32, #tpu.memory_space<hbm>>
      %dma_start3A_10 = arith.constant 0 : i32
      %dma_start3A_11 = arith.constant 0 : i32
      %dma_start3A_12 = tpu.memref_slice %arg4[%add3A, %dma_start3A_10, %dma_start3A_11] : memref<32x64x128xf32, #tpu.memory_space<hbm>> -> memref<1x64x128xf32, #tpu.memory_space<hbm>>
      %dma_start3A_13 = tpu.memref_squeeze %dma_start3A_12 : memref<1x64x128xf32, #tpu.memory_space<hbm>> -> memref<64x128xf32, #tpu.memory_space<hbm>>
      tpu.enqueue_dma source(%arg7 : memref<64x128xf32, #tpu.memory_space<vmem>>) target(%dma_start3A_13 : memref<64x128xf32, #tpu.memory_space<hbm>>) target_semaphore(%run_scoped3A : memref<!tpu.dma_semaphore, #tpu.memory_space<semaphore_mem>>)
      %dma_wait3A = arith.constant 0 : i32
      %dma_wait3A_14 = arith.constant 0 : i32
      %dma_wait3A_15 = tpu.memref_slice %arg4[%add3A, %dma_wait3A, %dma_wait3A_14] : memref<32x64x128xf32, #tpu.memory_space<hbm>> -> memref<1x64x128xf32, #tpu.memory_space<hbm>>
      %dma_wait3A_16 = tpu.memref_squeeze %dma_wait3A_15 : memref<1x64x128xf32, #tpu.memory_space<hbm>> -> memref<64x128xf32, #tpu.memory_space<hbm>>
      %dma_wait3A_17 = arith.constant 0 : i32
      %dma_wait3A_18 = arith.constant 0 : i32
      %dma_wait3A_19 = tpu.memref_slice %arg4[%add3A, %dma_wait3A_17, %dma_wait3A_18] : memref<32x64x128xf32, #tpu.memory_space<hbm>> -> memref<1x64x128xf32, #tpu.memory_space<hbm>>
      %dma_wait3A_20 = tpu.memref_squeeze %dma_wait3A_19 : memref<1x64x128xf32, #tpu.memory_space<hbm>> -> memref<64x128xf32, #tpu.memory_space<hbm>>
      tpu.wait_dma2 semaphore(%run_scoped3A : memref<!tpu.dma_semaphore, #tpu.memory_space<semaphore_mem>>) src(%arg7 : memref<64x128xf32, #tpu.memory_space<vmem>>) dst(%dma_wait3A_20 : memref<64x128xf32, #tpu.memory_space<hbm>>)
      tpu.yield
    }) : () -> ()
    "tpu.region"() ({
      %run_scoped3A = tpu.sem_alloc : memref<!tpu.dma_semaphore, #tpu.memory_space<semaphore_mem>>
      %dma_start3A = arith.constant 0 : i32
      %dma_start3A_7 = arith.constant 0 : i32
      %dma_start3A_8 = tpu.memref_slice %arg5[%add3A, %dma_start3A, %dma_start3A_7] : memref<32x8x128xi32, #tpu.memory_space<hbm>> -> memref<1x8x128xi32, #tpu.memory_space<hbm>>
      %dma_start3A_9 = tpu.memref_squeeze %dma_start3A_8 : memref<1x8x128xi32, #tpu.memory_space<hbm>> -> memref<8x128xi32, #tpu.memory_space<hbm>>
      %dma_start3A_10 = arith.constant 0 : i32
      %dma_start3A_11 = arith.constant 0 : i32
      %dma_start3A_12 = tpu.memref_slice %arg5[%add3A, %dma_start3A_10, %dma_start3A_11] : memref<32x8x128xi32, #tpu.memory_space<hbm>> -> memref<1x8x128xi32, #tpu.memory_space<hbm>>
      %dma_start3A_13 = tpu.memref_squeeze %dma_start3A_12 : memref<1x8x128xi32, #tpu.memory_space<hbm>> -> memref<8x128xi32, #tpu.memory_space<hbm>>
      tpu.enqueue_dma source(%arg8 : memref<8x128xi32, #tpu.memory_space<vmem>>) target(%dma_start3A_13 : memref<8x128xi32, #tpu.memory_space<hbm>>) target_semaphore(%run_scoped3A : memref<!tpu.dma_semaphore, #tpu.memory_space<semaphore_mem>>)
      %dma_wait3A = arith.constant 0 : i32
      %dma_wait3A_14 = arith.constant 0 : i32
      %dma_wait3A_15 = tpu.memref_slice %arg5[%add3A, %dma_wait3A, %dma_wait3A_14] : memref<32x8x128xi32, #tpu.memory_space<hbm>> -> memref<1x8x128xi32, #tpu.memory_space<hbm>>
      %dma_wait3A_16 = tpu.memref_squeeze %dma_wait3A_15 : memref<1x8x128xi32, #tpu.memory_space<hbm>> -> memref<8x128xi32, #tpu.memory_space<hbm>>
      %dma_wait3A_17 = arith.constant 0 : i32
      %dma_wait3A_18 = arith.constant 0 : i32
      %dma_wait3A_19 = tpu.memref_slice %arg5[%add3A, %dma_wait3A_17, %dma_wait3A_18] : memref<32x8x128xi32, #tpu.memory_space<hbm>> -> memref<1x8x128xi32, #tpu.memory_space<hbm>>
      %dma_wait3A_20 = tpu.memref_squeeze %dma_wait3A_19 : memref<1x8x128xi32, #tpu.memory_space<hbm>> -> memref<8x128xi32, #tpu.memory_space<hbm>>
      tpu.wait_dma2 semaphore(%run_scoped3A : memref<!tpu.dma_semaphore, #tpu.memory_space<semaphore_mem>>) src(%arg8 : memref<8x128xi32, #tpu.memory_space<vmem>>) dst(%dma_wait3A_20 : memref<8x128xi32, #tpu.memory_space<hbm>>)
      tpu.yield
    }) : () -> ()
    return
  }
}

#map = affine_map<(d0, d1) -> (0, 0, 0)>
#map1 = affine_map<(d0, d1) -> (0, 0)>
module attributes {stable_mosaic.version = 14 : i64} {
  func.func @_sc_topk_softmax(%arg0: i32, %arg1: i32, %arg2: memref<32x64x128xf32, #tpu.memory_space<hbm>>, %arg3: memref<64x128xf32, #tpu.memory_space<hbm>>, %arg4: memref<32x64x128xf32, #tpu.memory_space<hbm>>, %arg5: memref<32x8x128xi32, #tpu.memory_space<hbm>>, %arg6: memref<64x128xf32, #tpu.memory_space<vmem>>, %arg7: memref<64x128xf32, #tpu.memory_space<vmem>>, %arg8: memref<8x128xi32, #tpu.memory_space<vmem>>) attributes {dimension_semantics = [#tpu.dimension_semantics<core_parallel>, #tpu.dimension_semantics<subcore_parallel>], iteration_bounds = array<i64: 2, 16>, scalar_prefetch = 0 : i64, scratch_operands = 3 : i64, tpu.core_type = #tpu.core_type<sc_vector_subcore>, window_params = [{transform_indices = #map}, {transform_indices = #map1}, {transform_indices = #map}, {transform_indices = #map}]} {
    %mul3A = arith.constant 2 : i32
    %mul3A_0 = arith.muli %arg1, %mul3A : i32
    %add3A = arith.addi %mul3A_0, %arg0 : i32
    "tpu.region"() ({
      %run_scoped3A = tpu.sem_alloc : memref<!tpu.dma_semaphore, #tpu.memory_space<semaphore_mem>>
      %dma_start3A = arith.constant 0 : i32
      %dma_start3A_7 = arith.constant 0 : i32
      %dma_start3A_8 = tpu.memref_slice %arg2[%add3A, %dma_start3A, %dma_start3A_7] : memref<32x64x128xf32, #tpu.memory_space<hbm>> -> memref<1x64x128xf32, #tpu.memory_space<hbm>>
      %dma_start3A_9 = tpu.memref_squeeze %dma_start3A_8 : memref<1x64x128xf32, #tpu.memory_space<hbm>> -> memref<64x128xf32, #tpu.memory_space<hbm>>
      %dma_start3A_10 = arith.constant 0 : i32
      %dma_start3A_11 = arith.constant 0 : i32
      %dma_start3A_12 = tpu.memref_slice %arg2[%add3A, %dma_start3A_10, %dma_start3A_11] : memref<32x64x128xf32, #tpu.memory_space<hbm>> -> memref<1x64x128xf32, #tpu.memory_space<hbm>>
      %dma_start3A_13 = tpu.memref_squeeze %dma_start3A_12 : memref<1x64x128xf32, #tpu.memory_space<hbm>> -> memref<64x128xf32, #tpu.memory_space<hbm>>
      tpu.enqueue_dma source(%dma_start3A_13 : memref<64x128xf32, #tpu.memory_space<hbm>>) target(%arg6 : memref<64x128xf32, #tpu.memory_space<vmem>>) target_semaphore(%run_scoped3A : memref<!tpu.dma_semaphore, #tpu.memory_space<semaphore_mem>>)
      %dma_wait3A = arith.constant 0 : i32
      %dma_wait3A_14 = arith.constant 0 : i32
      %dma_wait3A_15 = tpu.memref_slice %arg2[%add3A, %dma_wait3A, %dma_wait3A_14] : memref<32x64x128xf32, #tpu.memory_space<hbm>> -> memref<1x64x128xf32, #tpu.memory_space<hbm>>
      %dma_wait3A_16 = tpu.memref_squeeze %dma_wait3A_15 : memref<1x64x128xf32, #tpu.memory_space<hbm>> -> memref<64x128xf32, #tpu.memory_space<hbm>>
      %dma_wait3A_17 = arith.constant 0 : i32
      %dma_wait3A_18 = arith.constant 0 : i32
      %dma_wait3A_19 = tpu.memref_slice %arg2[%add3A, %dma_wait3A_17, %dma_wait3A_18] : memref<32x64x128xf32, #tpu.memory_space<hbm>> -> memref<1x64x128xf32, #tpu.memory_space<hbm>>
      %dma_wait3A_20 = tpu.memref_squeeze %dma_wait3A_19 : memref<1x64x128xf32, #tpu.memory_space<hbm>> -> memref<64x128xf32, #tpu.memory_space<hbm>>
      tpu.wait_dma2 semaphore(%run_scoped3A : memref<!tpu.dma_semaphore, #tpu.memory_space<semaphore_mem>>) src(%dma_wait3A_20 : memref<64x128xf32, #tpu.memory_space<hbm>>) dst(%arg6 : memref<64x128xf32, #tpu.memory_space<vmem>>)
      tpu.yield
    }) : () -> ()
    "tpu.region"() ({
      %run_scoped3A = tpu.sem_alloc : memref<!tpu.dma_semaphore, #tpu.memory_space<semaphore_mem>>
      tpu.enqueue_dma source(%arg3 : memref<64x128xf32, #tpu.memory_space<hbm>>) target(%arg7 : memref<64x128xf32, #tpu.memory_space<vmem>>) target_semaphore(%run_scoped3A : memref<!tpu.dma_semaphore, #tpu.memory_space<semaphore_mem>>)
      tpu.wait_dma2 semaphore(%run_scoped3A : memref<!tpu.dma_semaphore, #tpu.memory_space<semaphore_mem>>) src(%arg3 : memref<64x128xf32, #tpu.memory_space<hbm>>) dst(%arg7 : memref<64x128xf32, #tpu.memory_space<vmem>>)
      tpu.yield
    }) : () -> ()
    %iota3A = tpu.iota {dimensions = array<i32: 0>} : vector<16xi32>
    %scan3A = arith.constant 0 : i32
    %scan3A_1 = arith.constant 0 : i32
    %scan3A_2 = arith.constant 8 : i32
    %scan3A_3 = arith.addi %scan3A_1, %scan3A_2 : i32
    %scan3A_4 = arith.constant 1 : i32
    %scan3A_5 = scf.for %scan3A_7 = %scan3A_1 to %scan3A_3 step %scan3A_4 iter_args(%scan3A_8 = %scan3A) -> (i32)  : i32 {
      %mul3A_9 = arith.constant 16 : i32
      %mul3A_10 = arith.muli %scan3A_7, %mul3A_9 : i32
      %multiple_of3A = tpu.assume_multiple %mul3A_10, 16 : i32
      %broadcast_in_dim3A = arith.constant 0xFF800000 : f32
      %broadcast_in_dim3A_11 = vector.broadcast %broadcast_in_dim3A : f32 to vector<16xf32>
      %broadcast_in_dim3A_12 = arith.constant 0xFF800000 : f32
      %broadcast_in_dim3A_13 = vector.broadcast %broadcast_in_dim3A_12 : f32 to vector<16xf32>
      %broadcast_in_dim3A_14 = arith.constant 0xFF800000 : f32
      %broadcast_in_dim3A_15 = vector.broadcast %broadcast_in_dim3A_14 : f32 to vector<16xf32>
      %broadcast_in_dim3A_16 = arith.constant 0xFF800000 : f32
      %broadcast_in_dim3A_17 = vector.broadcast %broadcast_in_dim3A_16 : f32 to vector<16xf32>
      %broadcast_in_dim3A_18 = arith.constant 0xFF800000 : f32
      %broadcast_in_dim3A_19 = vector.broadcast %broadcast_in_dim3A_18 : f32 to vector<16xf32>
      %broadcast_in_dim3A_20 = arith.constant 0xFF800000 : f32
      %broadcast_in_dim3A_21 = vector.broadcast %broadcast_in_dim3A_20 : f32 to vector<16xf32>
      %broadcast_in_dim3A_22 = arith.constant 0xFF800000 : f32
      %broadcast_in_dim3A_23 = vector.broadcast %broadcast_in_dim3A_22 : f32 to vector<16xf32>
      %broadcast_in_dim3A_24 = arith.constant 0xFF800000 : f32
      %broadcast_in_dim3A_25 = vector.broadcast %broadcast_in_dim3A_24 : f32 to vector<16xf32>
      %broadcast_in_dim3A_26 = arith.constant 0 : i32
      %broadcast_in_dim3A_27 = vector.broadcast %broadcast_in_dim3A_26 : i32 to vector<16xi32>
      %broadcast_in_dim3A_28 = arith.constant 0 : i32
      %broadcast_in_dim3A_29 = vector.broadcast %broadcast_in_dim3A_28 : i32 to vector<16xi32>
      %broadcast_in_dim3A_30 = arith.constant 0 : i32
      %broadcast_in_dim3A_31 = vector.broadcast %broadcast_in_dim3A_30 : i32 to vector<16xi32>
      %broadcast_in_dim3A_32 = arith.constant 0 : i32
      %broadcast_in_dim3A_33 = vector.broadcast %broadcast_in_dim3A_32 : i32 to vector<16xi32>
      %broadcast_in_dim3A_34 = arith.constant 0 : i32
      %broadcast_in_dim3A_35 = vector.broadcast %broadcast_in_dim3A_34 : i32 to vector<16xi32>
      %broadcast_in_dim3A_36 = arith.constant 0 : i32
      %broadcast_in_dim3A_37 = vector.broadcast %broadcast_in_dim3A_36 : i32 to vector<16xi32>
      %broadcast_in_dim3A_38 = arith.constant 0 : i32
      %broadcast_in_dim3A_39 = vector.broadcast %broadcast_in_dim3A_38 : i32 to vector<16xi32>
      %broadcast_in_dim3A_40 = arith.constant 0 : i32
      %broadcast_in_dim3A_41 = vector.broadcast %broadcast_in_dim3A_40 : i32 to vector<16xi32>
      %scan3A_42 = arith.constant 0 : i32
      %scan3A_43 = arith.constant 64 : i32
      %scan3A_44 = arith.addi %scan3A_42, %scan3A_43 : i32
      %scan3A_45 = arith.constant 1 : i32
      %scan3A_46:16 = scf.for %scan3A_128 = %scan3A_42 to %scan3A_44 step %scan3A_45 iter_args(%scan3A_129 = %broadcast_in_dim3A_11, %scan3A_130 = %broadcast_in_dim3A_13, %scan3A_131 = %broadcast_in_dim3A_15, %scan3A_132 = %broadcast_in_dim3A_17, %scan3A_133 = %broadcast_in_dim3A_19, %scan3A_134 = %broadcast_in_dim3A_21, %scan3A_135 = %broadcast_in_dim3A_23, %scan3A_136 = %broadcast_in_dim3A_25, %scan3A_137 = %broadcast_in_dim3A_27, %scan3A_138 = %broadcast_in_dim3A_29, %scan3A_139 = %broadcast_in_dim3A_31, %scan3A_140 = %broadcast_in_dim3A_33, %scan3A_141 = %broadcast_in_dim3A_35, %scan3A_142 = %broadcast_in_dim3A_37, %scan3A_143 = %broadcast_in_dim3A_39, %scan3A_144 = %broadcast_in_dim3A_41) -> (vector<16xf32>, vector<16xf32>, vector<16xf32>, vector<16xf32>, vector<16xf32>, vector<16xf32>, vector<16xf32>, vector<16xf32>, vector<16xi32>, vector<16xi32>, vector<16xi32>, vector<16xi32>, vector<16xi32>, vector<16xi32>, vector<16xi32>, vector<16xi32>)  : i32 {
        %broadcast_in_dim3A_145 = arith.constant 0 : i32
        %broadcast_in_dim3A_146 = vector.broadcast %broadcast_in_dim3A_145 : i32 to vector<16xi32>
        %add3A_147 = vector.broadcast %scan3A_128 : i32 to vector<16xi32>
        %add3A_148 = arith.addi %broadcast_in_dim3A_146, %add3A_147 : vector<16xi32>
        %add3A_149 = arith.constant 0 : i32
        %add3A_150 = arith.addi %multiple_of3A, %add3A_149 : i32
        %get3A = arith.index_cast %scan3A_128 : i32 to index
        %get3A_151 = arith.index_cast %add3A_150 : i32 to index
        %get3A_152 = tpu.vector_load %arg6[%get3A, %get3A_151] {strides = array<i32>} : memref<64x128xf32, #tpu.memory_space<vmem>>, vector<16xf32>,
        %gt3A = arith.cmpf ogt, %get3A_152, %scan3A_129 : vector<16xf32>
        %select_n3A = arith.select %gt3A, %get3A_152, %scan3A_129 : vector<16xi1>, vector<16xf32>
        %select_n3A_153 = arith.select %gt3A, %add3A_148, %scan3A_137 : vector<16xi1>, vector<16xi32>
        %select_n3A_154 = arith.select %gt3A, %scan3A_129, %get3A_152 : vector<16xi1>, vector<16xf32>
        %select_n3A_155 = arith.select %gt3A, %scan3A_137, %add3A_148 : vector<16xi1>, vector<16xi32>
        %gt3A_156 = arith.cmpf ogt, %select_n3A_154, %scan3A_130 : vector<16xf32>
        %select_n3A_157 = arith.select %gt3A_156, %select_n3A_154, %scan3A_130 : vector<16xi1>, vector<16xf32>
        %select_n3A_158 = arith.select %gt3A_156, %select_n3A_155, %scan3A_138 : vector<16xi1>, vector<16xi32>
        %select_n3A_159 = arith.select %gt3A_156, %scan3A_130, %select_n3A_154 : vector<16xi1>, vector<16xf32>
        %select_n3A_160 = arith.select %gt3A_156, %scan3A_138, %select_n3A_155 : vector<16xi1>, vector<16xi32>
        %gt3A_161 = arith.cmpf ogt, %select_n3A_159, %scan3A_131 : vector<16xf32>
        %select_n3A_162 = arith.select %gt3A_161, %select_n3A_159, %scan3A_131 : vector<16xi1>, vector<16xf32>
        %select_n3A_163 = arith.select %gt3A_161, %select_n3A_160, %scan3A_139 : vector<16xi1>, vector<16xi32>
        %select_n3A_164 = arith.select %gt3A_161, %scan3A_131, %select_n3A_159 : vector<16xi1>, vector<16xf32>
        %select_n3A_165 = arith.select %gt3A_161, %scan3A_139, %select_n3A_160 : vector<16xi1>, vector<16xi32>
        %gt3A_166 = arith.cmpf ogt, %select_n3A_164, %scan3A_132 : vector<16xf32>
        %select_n3A_167 = arith.select %gt3A_166, %select_n3A_164, %scan3A_132 : vector<16xi1>, vector<16xf32>
        %select_n3A_168 = arith.select %gt3A_166, %select_n3A_165, %scan3A_140 : vector<16xi1>, vector<16xi32>
        %select_n3A_169 = arith.select %gt3A_166, %scan3A_132, %select_n3A_164 : vector<16xi1>, vector<16xf32>
        %select_n3A_170 = arith.select %gt3A_166, %scan3A_140, %select_n3A_165 : vector<16xi1>, vector<16xi32>
        %gt3A_171 = arith.cmpf ogt, %select_n3A_169, %scan3A_133 : vector<16xf32>
        %select_n3A_172 = arith.select %gt3A_171, %select_n3A_169, %scan3A_133 : vector<16xi1>, vector<16xf32>
        %select_n3A_173 = arith.select %gt3A_171, %select_n3A_170, %scan3A_141 : vector<16xi1>, vector<16xi32>
        %select_n3A_174 = arith.select %gt3A_171, %scan3A_133, %select_n3A_169 : vector<16xi1>, vector<16xf32>
        %select_n3A_175 = arith.select %gt3A_171, %scan3A_141, %select_n3A_170 : vector<16xi1>, vector<16xi32>
        %gt3A_176 = arith.cmpf ogt, %select_n3A_174, %scan3A_134 : vector<16xf32>
        %select_n3A_177 = arith.select %gt3A_176, %select_n3A_174, %scan3A_134 : vector<16xi1>, vector<16xf32>
        %select_n3A_178 = arith.select %gt3A_176, %select_n3A_175, %scan3A_142 : vector<16xi1>, vector<16xi32>
        %select_n3A_179 = arith.select %gt3A_176, %scan3A_134, %select_n3A_174 : vector<16xi1>, vector<16xf32>
        %select_n3A_180 = arith.select %gt3A_176, %scan3A_142, %select_n3A_175 : vector<16xi1>, vector<16xi32>
        %gt3A_181 = arith.cmpf ogt, %select_n3A_179, %scan3A_135 : vector<16xf32>
        %select_n3A_182 = arith.select %gt3A_181, %select_n3A_179, %scan3A_135 : vector<16xi1>, vector<16xf32>
        %select_n3A_183 = arith.select %gt3A_181, %select_n3A_180, %scan3A_143 : vector<16xi1>, vector<16xi32>
        %select_n3A_184 = arith.select %gt3A_181, %scan3A_135, %select_n3A_179 : vector<16xi1>, vector<16xf32>
        %select_n3A_185 = arith.select %gt3A_181, %scan3A_143, %select_n3A_180 : vector<16xi1>, vector<16xi32>
        %gt3A_186 = arith.cmpf ogt, %select_n3A_184, %scan3A_136 : vector<16xf32>
        %select_n3A_187 = arith.select %gt3A_186, %select_n3A_184, %scan3A_136 : vector<16xi1>, vector<16xf32>
        %select_n3A_188 = arith.select %gt3A_186, %select_n3A_185, %scan3A_144 : vector<16xi1>, vector<16xi32>
        %select_n3A_189 = arith.select %gt3A_186, %scan3A_136, %select_n3A_184 : vector<16xi1>, vector<16xf32>
        %select_n3A_190 = arith.select %gt3A_186, %scan3A_144, %select_n3A_185 : vector<16xi1>, vector<16xi32>
        scf.yield %select_n3A, %select_n3A_157, %select_n3A_162, %select_n3A_167, %select_n3A_172, %select_n3A_177, %select_n3A_182, %select_n3A_187, %select_n3A_153, %select_n3A_158, %select_n3A_163, %select_n3A_168, %select_n3A_173, %select_n3A_178, %select_n3A_183, %select_n3A_188 : vector<16xf32>, vector<16xf32>, vector<16xf32>, vector<16xf32>, vector<16xf32>, vector<16xf32>, vector<16xf32>, vector<16xf32>, vector<16xi32>, vector<16xi32>, vector<16xi32>, vector<16xi32>, vector<16xi32>, vector<16xi32>, vector<16xi32>, vector<16xi32>
      }
      %scan3A_47 = arith.constant 64 : i32
      %sub3A = arith.subf %scan3A_46#0, %scan3A_46#0 : vector<16xf32>
      %exp3A = math.exp %sub3A : vector<16xf32>
      %sub3A_48 = arith.subf %scan3A_46#1, %scan3A_46#0 : vector<16xf32>
      %exp3A_49 = math.exp %sub3A_48 : vector<16xf32>
      %sub3A_50 = arith.subf %scan3A_46#2, %scan3A_46#0 : vector<16xf32>
      %exp3A_51 = math.exp %sub3A_50 : vector<16xf32>
      %sub3A_52 = arith.subf %scan3A_46#3, %scan3A_46#0 : vector<16xf32>
      %exp3A_53 = math.exp %sub3A_52 : vector<16xf32>
      %sub3A_54 = arith.subf %scan3A_46#4, %scan3A_46#0 : vector<16xf32>
      %exp3A_55 = math.exp %sub3A_54 : vector<16xf32>
      %sub3A_56 = arith.subf %scan3A_46#5, %scan3A_46#0 : vector<16xf32>
      %exp3A_57 = math.exp %sub3A_56 : vector<16xf32>
      %sub3A_58 = arith.subf %scan3A_46#6, %scan3A_46#0 : vector<16xf32>
      %exp3A_59 = math.exp %sub3A_58 : vector<16xf32>
      %sub3A_60 = arith.subf %scan3A_46#7, %scan3A_46#0 : vector<16xf32>
      %exp3A_61 = math.exp %sub3A_60 : vector<16xf32>
      %add3A_62 = arith.addf %exp3A, %exp3A_49 : vector<16xf32>
      %add3A_63 = arith.addf %add3A_62, %exp3A_51 : vector<16xf32>
      %add3A_64 = arith.addf %add3A_63, %exp3A_53 : vector<16xf32>
      %add3A_65 = arith.addf %add3A_64, %exp3A_55 : vector<16xf32>
      %add3A_66 = arith.addf %add3A_65, %exp3A_57 : vector<16xf32>
      %add3A_67 = arith.addf %add3A_66, %exp3A_59 : vector<16xf32>
      %add3A_68 = arith.addf %add3A_67, %exp3A_61 : vector<16xf32>
      %add3A_69 = arith.constant 0 : i32
      %add3A_70 = arith.addi %multiple_of3A, %add3A_69 : i32
      %add3A_71 = vector.broadcast %add3A_70 : i32 to vector<16xi32>
      %add3A_72 = arith.addi %add3A_71, %iota3A : vector<16xi32>
      %div3A = arith.divf %exp3A, %add3A_68 : vector<16xf32>
      tpu.vector_store_idx %arg7[%scan3A_46#8, %add3A_72], %div3A : memref<64x128xf32, #tpu.memory_space<vmem>>[vector<16xi32>, vector<16xi32>], vector<16xf32>,
      %add3A_73 = arith.constant 0 : i32
      %add3A_74 = arith.addi %multiple_of3A, %add3A_73 : i32
      %swap3A = arith.constant 0 : i32
      %swap3A_75 = arith.index_cast %swap3A : i32 to index
      %swap3A_76 = arith.index_cast %add3A_74 : i32 to index
      %swap3A_77 = tpu.vector_load %arg8[%swap3A_75, %swap3A_76] {strides = array<i32>} : memref<8x128xi32, #tpu.memory_space<vmem>>, vector<16xi32>,
      tpu.vector_store %arg8[%swap3A_75, %swap3A_76], %scan3A_46#8 {strides = array<i32>} : memref<8x128xi32, #tpu.memory_space<vmem>>, vector<16xi32>,
      %div3A_78 = arith.divf %exp3A_49, %add3A_68 : vector<16xf32>
      tpu.vector_store_idx %arg7[%scan3A_46#9, %add3A_72], %div3A_78 : memref<64x128xf32, #tpu.memory_space<vmem>>[vector<16xi32>, vector<16xi32>], vector<16xf32>,
      %add3A_79 = arith.constant 0 : i32
      %add3A_80 = arith.addi %multiple_of3A, %add3A_79 : i32
      %swap3A_81 = arith.constant 1 : i32
      %swap3A_82 = arith.index_cast %swap3A_81 : i32 to index
      %swap3A_83 = arith.index_cast %add3A_80 : i32 to index
      %swap3A_84 = tpu.vector_load %arg8[%swap3A_82, %swap3A_83] {strides = array<i32>} : memref<8x128xi32, #tpu.memory_space<vmem>>, vector<16xi32>,
      tpu.vector_store %arg8[%swap3A_82, %swap3A_83], %scan3A_46#9 {strides = array<i32>} : memref<8x128xi32, #tpu.memory_space<vmem>>, vector<16xi32>,
      %div3A_85 = arith.divf %exp3A_51, %add3A_68 : vector<16xf32>
      tpu.vector_store_idx %arg7[%scan3A_46#10, %add3A_72], %div3A_85 : memref<64x128xf32, #tpu.memory_space<vmem>>[vector<16xi32>, vector<16xi32>], vector<16xf32>,
      %add3A_86 = arith.constant 0 : i32
      %add3A_87 = arith.addi %multiple_of3A, %add3A_86 : i32
      %swap3A_88 = arith.constant 2 : i32
      %swap3A_89 = arith.index_cast %swap3A_88 : i32 to index
      %swap3A_90 = arith.index_cast %add3A_87 : i32 to index
      %swap3A_91 = tpu.vector_load %arg8[%swap3A_89, %swap3A_90] {strides = array<i32>} : memref<8x128xi32, #tpu.memory_space<vmem>>, vector<16xi32>,
      tpu.vector_store %arg8[%swap3A_89, %swap3A_90], %scan3A_46#10 {strides = array<i32>} : memref<8x128xi32, #tpu.memory_space<vmem>>, vector<16xi32>,
      %div3A_92 = arith.divf %exp3A_53, %add3A_68 : vector<16xf32>
      tpu.vector_store_idx %arg7[%scan3A_46#11, %add3A_72], %div3A_92 : memref<64x128xf32, #tpu.memory_space<vmem>>[vector<16xi32>, vector<16xi32>], vector<16xf32>,
      %add3A_93 = arith.constant 0 : i32
      %add3A_94 = arith.addi %multiple_of3A, %add3A_93 : i32
      %swap3A_95 = arith.constant 3 : i32
      %swap3A_96 = arith.index_cast %swap3A_95 : i32 to index
      %swap3A_97 = arith.index_cast %add3A_94 : i32 to index
      %swap3A_98 = tpu.vector_load %arg8[%swap3A_96, %swap3A_97] {strides = array<i32>} : memref<8x128xi32, #tpu.memory_space<vmem>>, vector<16xi32>,
      tpu.vector_store %arg8[%swap3A_96, %swap3A_97], %scan3A_46#11 {strides = array<i32>} : memref<8x128xi32, #tpu.memory_space<vmem>>, vector<16xi32>,
      %div3A_99 = arith.divf %exp3A_55, %add3A_68 : vector<16xf32>
      tpu.vector_store_idx %arg7[%scan3A_46#12, %add3A_72], %div3A_99 : memref<64x128xf32, #tpu.memory_space<vmem>>[vector<16xi32>, vector<16xi32>], vector<16xf32>,
      %add3A_100 = arith.constant 0 : i32
      %add3A_101 = arith.addi %multiple_of3A, %add3A_100 : i32
      %swap3A_102 = arith.constant 4 : i32
      %swap3A_103 = arith.index_cast %swap3A_102 : i32 to index
      %swap3A_104 = arith.index_cast %add3A_101 : i32 to index
      %swap3A_105 = tpu.vector_load %arg8[%swap3A_103, %swap3A_104] {strides = array<i32>} : memref<8x128xi32, #tpu.memory_space<vmem>>, vector<16xi32>,
      tpu.vector_store %arg8[%swap3A_103, %swap3A_104], %scan3A_46#12 {strides = array<i32>} : memref<8x128xi32, #tpu.memory_space<vmem>>, vector<16xi32>,
      %div3A_106 = arith.divf %exp3A_57, %add3A_68 : vector<16xf32>
      tpu.vector_store_idx %arg7[%scan3A_46#13, %add3A_72], %div3A_106 : memref<64x128xf32, #tpu.memory_space<vmem>>[vector<16xi32>, vector<16xi32>], vector<16xf32>,
      %add3A_107 = arith.constant 0 : i32
      %add3A_108 = arith.addi %multiple_of3A, %add3A_107 : i32
      %swap3A_109 = arith.constant 5 : i32
      %swap3A_110 = arith.index_cast %swap3A_109 : i32 to index
      %swap3A_111 = arith.index_cast %add3A_108 : i32 to index
      %swap3A_112 = tpu.vector_load %arg8[%swap3A_110, %swap3A_111] {strides = array<i32>} : memref<8x128xi32, #tpu.memory_space<vmem>>, vector<16xi32>,
      tpu.vector_store %arg8[%swap3A_110, %swap3A_111], %scan3A_46#13 {strides = array<i32>} : memref<8x128xi32, #tpu.memory_space<vmem>>, vector<16xi32>,
      %div3A_113 = arith.divf %exp3A_59, %add3A_68 : vector<16xf32>
      tpu.vector_store_idx %arg7[%scan3A_46#14, %add3A_72], %div3A_113 : memref<64x128xf32, #tpu.memory_space<vmem>>[vector<16xi32>, vector<16xi32>], vector<16xf32>,
      %add3A_114 = arith.constant 0 : i32
      %add3A_115 = arith.addi %multiple_of3A, %add3A_114 : i32
      %swap3A_116 = arith.constant 6 : i32
      %swap3A_117 = arith.index_cast %swap3A_116 : i32 to index
      %swap3A_118 = arith.index_cast %add3A_115 : i32 to index
      %swap3A_119 = tpu.vector_load %arg8[%swap3A_117, %swap3A_118] {strides = array<i32>} : memref<8x128xi32, #tpu.memory_space<vmem>>, vector<16xi32>,
      tpu.vector_store %arg8[%swap3A_117, %swap3A_118], %scan3A_46#14 {strides = array<i32>} : memref<8x128xi32, #tpu.memory_space<vmem>>, vector<16xi32>,
      %div3A_120 = arith.divf %exp3A_61, %add3A_68 : vector<16xf32>
      tpu.vector_store_idx %arg7[%scan3A_46#15, %add3A_72], %div3A_120 : memref<64x128xf32, #tpu.memory_space<vmem>>[vector<16xi32>, vector<16xi32>], vector<16xf32>,
      %add3A_121 = arith.constant 0 : i32
      %add3A_122 = arith.addi %multiple_of3A, %add3A_121 : i32
      %swap3A_123 = arith.constant 7 : i32
      %swap3A_124 = arith.index_cast %swap3A_123 : i32 to index
      %swap3A_125 = arith.index_cast %add3A_122 : i32 to index
      %swap3A_126 = tpu.vector_load %arg8[%swap3A_124, %swap3A_125] {strides = array<i32>} : memref<8x128xi32, #tpu.memory_space<vmem>>, vector<16xi32>,
      tpu.vector_store %arg8[%swap3A_124, %swap3A_125], %scan3A_46#15 {strides = array<i32>} : memref<8x128xi32, #tpu.memory_space<vmem>>, vector<16xi32>,
      %scan3A_127 = arith.constant 0 : i32
      scf.yield %scan3A_127 : i32
    }
    %scan3A_6 = arith.constant 8 : i32
    "tpu.region"() ({
      %run_scoped3A = tpu.sem_alloc : memref<!tpu.dma_semaphore, #tpu.memory_space<semaphore_mem>>
      %dma_start3A = arith.constant 0 : i32
      %dma_start3A_7 = arith.constant 0 : i32
      %dma_start3A_8 = tpu.memref_slice %arg4[%add3A, %dma_start3A, %dma_start3A_7] : memref<32x64x128xf32, #tpu.memory_space<hbm>> -> memref<1x64x128xf32, #tpu.memory_space<hbm>>
      %dma_start3A_9 = tpu.memref_squeeze %dma_start3A_8 : memref<1x64x128xf32, #tpu.memory_space<hbm>> -> memref<64x128xf32, #tpu.memory_space<hbm>>
      %dma_start3A_10 = arith.constant 0 : i32
      %dma_start3A_11 = arith.constant 0 : i32
      %dma_start3A_12 = tpu.memref_slice %arg4[%add3A, %dma_start3A_10, %dma_start3A_11] : memref<32x64x128xf32, #tpu.memory_space<hbm>> -> memref<1x64x128xf32, #tpu.memory_space<hbm>>
      %dma_start3A_13 = tpu.memref_squeeze %dma_start3A_12 : memref<1x64x128xf32, #tpu.memory_space<hbm>> -> memref<64x128xf32, #tpu.memory_space<hbm>>
      tpu.enqueue_dma source(%arg7 : memref<64x128xf32, #tpu.memory_space<vmem>>) target(%dma_start3A_13 : memref<64x128xf32, #tpu.memory_space<hbm>>) target_semaphore(%run_scoped3A : memref<!tpu.dma_semaphore, #tpu.memory_space<semaphore_mem>>)
      %dma_wait3A = arith.constant 0 : i32
      %dma_wait3A_14 = arith.constant 0 : i32
      %dma_wait3A_15 = tpu.memref_slice %arg4[%add3A, %dma_wait3A, %dma_wait3A_14] : memref<32x64x128xf32, #tpu.memory_space<hbm>> -> memref<1x64x128xf32, #tpu.memory_space<hbm>>
      %dma_wait3A_16 = tpu.memref_squeeze %dma_wait3A_15 : memref<1x64x128xf32, #tpu.memory_space<hbm>> -> memref<64x128xf32, #tpu.memory_space<hbm>>
      %dma_wait3A_17 = arith.constant 0 : i32
      %dma_wait3A_18 = arith.constant 0 : i32
      %dma_wait3A_19 = tpu.memref_slice %arg4[%add3A, %dma_wait3A_17, %dma_wait3A_18] : memref<32x64x128xf32, #tpu.memory_space<hbm>> -> memref<1x64x128xf32, #tpu.memory_space<hbm>>
      %dma_wait3A_20 = tpu.memref_squeeze %dma_wait3A_19 : memref<1x64x128xf32, #tpu.memory_space<hbm>> -> memref<64x128xf32, #tpu.memory_space<hbm>>
      tpu.wait_dma2 semaphore(%run_scoped3A : memref<!tpu.dma_semaphore, #tpu.memory_space<semaphore_mem>>) src(%arg7 : memref<64x128xf32, #tpu.memory_space<vmem>>) dst(%dma_wait3A_20 : memref<64x128xf32, #tpu.memory_space<hbm>>)
      tpu.yield
    }) : () -> ()
    "tpu.region"() ({
      %run_scoped3A = tpu.sem_alloc : memref<!tpu.dma_semaphore, #tpu.memory_space<semaphore_mem>>
      %dma_start3A = arith.constant 0 : i32
      %dma_start3A_7 = arith.constant 0 : i32
      %dma_start3A_8 = tpu.memref_slice %arg5[%add3A, %dma_start3A, %dma_start3A_7] : memref<32x8x128xi32, #tpu.memory_space<hbm>> -> memref<1x8x128xi32, #tpu.memory_space<hbm>>
      %dma_start3A_9 = tpu.memref_squeeze %dma_start3A_8 : memref<1x8x128xi32, #tpu.memory_space<hbm>> -> memref<8x128xi32, #tpu.memory_space<hbm>>
      %dma_start3A_10 = arith.constant 0 : i32
      %dma_start3A_11 = arith.constant 0 : i32
      %dma_start3A_12 = tpu.memref_slice %arg5[%add3A, %dma_start3A_10, %dma_start3A_11] : memref<32x8x128xi32, #tpu.memory_space<hbm>> -> memref<1x8x128xi32, #tpu.memory_space<hbm>>
      %dma_start3A_13 = tpu.memref_squeeze %dma_start3A_12 : memref<1x8x128xi32, #tpu.memory_space<hbm>> -> memref<8x128xi32, #tpu.memory_space<hbm>>
      tpu.enqueue_dma source(%arg8 : memref<8x128xi32, #tpu.memory_space<vmem>>) target(%dma_start3A_13 : memref<8x128xi32, #tpu.memory_space<hbm>>) target_semaphore(%run_scoped3A : memref<!tpu.dma_semaphore, #tpu.memory_space<semaphore_mem>>)
      %dma_wait3A = arith.constant 0 : i32
      %dma_wait3A_14 = arith.constant 0 : i32
      %dma_wait3A_15 = tpu.memref_slice %arg5[%add3A, %dma_wait3A, %dma_wait3A_14] : memref<32x8x128xi32, #tpu.memory_space<hbm>> -> memref<1x8x128xi32, #tpu.memory_space<hbm>>
      %dma_wait3A_16 = tpu.memref_squeeze %dma_wait3A_15 : memref<1x8x128xi32, #tpu.memory_space<hbm>> -> memref<8x128xi32, #tpu.memory_space<hbm>>
      %dma_wait3A_17 = arith.constant 0 : i32
      %dma_wait3A_18 = arith.constant 0 : i32
      %dma_wait3A_19 = tpu.memref_slice %arg5[%add3A, %dma_wait3A_17, %dma_wait3A_18] : memref<32x8x128xi32, #tpu.memory_space<hbm>> -> memref<1x8x128xi32, #tpu.memory_space<hbm>>
      %dma_wait3A_20 = tpu.memref_squeeze %dma_wait3A_19 : memref<1x8x128xi32, #tpu.memory_space<hbm>> -> memref<8x128xi32, #tpu.memory_space<hbm>>
      tpu.wait_dma2 semaphore(%run_scoped3A : memref<!tpu.dma_semaphore, #tpu.memory_space<semaphore_mem>>) src(%arg8 : memref<8x128xi32, #tpu.memory_space<vmem>>) dst(%dma_wait3A_20 : memref<8x128xi32, #tpu.memory_space<hbm>>)
      tpu.yield
    }) : () -> ()
    return
  }
}

module attributes {stable_mosaic.version = 14 : i64} {
  func.func @_logits_block(%arg0: i32, %arg1: memref<1024x2048xf32, #tpu.memory_space<vmem>>, %arg2: memref<64x2048xf32, #tpu.memory_space<vmem>>, %arg3: memref<64x1xf32, #tpu.memory_space<vmem>>, %arg4: memref<64x1024xf32, #tpu.memory_space<vmem>>, %arg5: memref<8x64x128xf32, #tpu.memory_space<vmem>>) attributes {dimension_semantics = [#tpu.dimension_semantics<arbitrary>], iteration_bounds = array<i64: 4>, scalar_prefetch = 0 : i64, scratch_operands = 0 : i64, tpu.core_type = #tpu.core_type<tc>, window_params = [{transform_indices = @transform_0, window_bounds = array<i64: 1024, 2048>}, {pipeline_mode = #tpu.pipeline_mode<synchronous>, transform_indices = @transform_1, window_bounds = array<i64: 64, 2048>}, {pipeline_mode = #tpu.pipeline_mode<synchronous>, transform_indices = @transform_2, window_bounds = array<i64: 64, 1>}, {transform_indices = @transform_3, window_bounds = array<i64: 64, 1024>}, {transform_indices = @transform_4, window_bounds = array<i64: 8, 64, 128>}]} {
    %get3A = arith.constant 0 : index
    %get3A_0 = arith.constant 0 : index
    %get3A_1 = vector.load %arg1[%get3A, %get3A_0] : memref<1024x2048xf32, #tpu.memory_space<vmem>>, vector<1024x2048xf32>
    %get3A_2 = arith.constant 0 : index
    %get3A_3 = arith.constant 0 : index
    %get3A_4 = vector.load %arg2[%get3A_2, %get3A_3] : memref<64x2048xf32, #tpu.memory_space<vmem>>, vector<64x2048xf32>
    %dot_general3A = arith.constant dense<0.000000e+00> : vector<64x1024xf32>
    %dot_general3A_5 = tpu.matmul %get3A_4, %get3A_1, %dot_general3A {dimension_numbers = #tpu.dot_dimension_numbers<[1], [1], [0], [0], [0, 0, 1, 0], [], []>, transpose_lhs_hint = false} : vector<64x2048xf32>, vector<1024x2048xf32>, vector<64x1024xf32> -> vector<64x1024xf32>
    %get3A_6 = arith.constant 0 : index
    %get3A_7 = arith.constant 0 : index
    %get3A_8 = vector.load %arg3[%get3A_6, %get3A_7] : memref<64x1xf32, #tpu.memory_space<vmem>>, vector<64x1xf32>
    %add3A = vector.broadcast %get3A_8 : vector<64x1xf32> to vector<64x1024xf32>
    %add3A_9 = arith.addf %dot_general3A_5, %add3A : vector<64x1024xf32>
    %get3A_10 = arith.constant 0 : index
    %get3A_11 = arith.constant 0 : index
    %get3A_12 = vector.load %arg4[%get3A_10, %get3A_11] : memref<64x1024xf32, #tpu.memory_space<vmem>>, vector<64x1024xf32>
    %add3A_13 = arith.addf %add3A_9, %get3A_12 : vector<64x1024xf32>
    %slice3A = vector.extract_strided_slice %add3A_13 {offsets = [0, 0], sizes = [64, 128], strides = [1, 1]} : vector<64x1024xf32> to vector<64x128xf32>
    %swap3A = arith.constant 0 : index
    %swap3A_14 = arith.constant 0 : index
    %swap3A_15 = arith.constant 0 : index
    %swap3A_16 = vector.load %arg5[%swap3A, %swap3A_14, %swap3A_15] : memref<8x64x128xf32, #tpu.memory_space<vmem>>, vector<1x64x128xf32>
    %swap3A_17 = vector.shape_cast %swap3A_16 : vector<1x64x128xf32> to vector<64x128xf32>
    %swap3A_18 = vector.shape_cast %slice3A : vector<64x128xf32> to vector<1x64x128xf32>
    tpu.vector_store %arg5[%swap3A, %swap3A_14, %swap3A_15], %swap3A_18 {strides = array<i32>} : memref<8x64x128xf32, #tpu.memory_space<vmem>>, vector<1x64x128xf32>,
    %slice3A_19 = vector.extract_strided_slice %add3A_13 {offsets = [0, 128], sizes = [64, 128], strides = [1, 1]} : vector<64x1024xf32> to vector<64x128xf32>
    %swap3A_20 = arith.constant 1 : index
    %swap3A_21 = arith.constant 0 : index
    %swap3A_22 = arith.constant 0 : index
    %swap3A_23 = vector.load %arg5[%swap3A_20, %swap3A_21, %swap3A_22] : memref<8x64x128xf32, #tpu.memory_space<vmem>>, vector<1x64x128xf32>
    %swap3A_24 = vector.shape_cast %swap3A_23 : vector<1x64x128xf32> to vector<64x128xf32>
    %swap3A_25 = vector.shape_cast %slice3A_19 : vector<64x128xf32> to vector<1x64x128xf32>
    tpu.vector_store %arg5[%swap3A_20, %swap3A_21, %swap3A_22], %swap3A_25 {strides = array<i32>} : memref<8x64x128xf32, #tpu.memory_space<vmem>>, vector<1x64x128xf32>,
    %slice3A_26 = vector.extract_strided_slice %add3A_13 {offsets = [0, 256], sizes = [64, 128], strides = [1, 1]} : vector<64x1024xf32> to vector<64x128xf32>
    %swap3A_27 = arith.constant 2 : index
    %swap3A_28 = arith.constant 0 : index
    %swap3A_29 = arith.constant 0 : index
    %swap3A_30 = vector.load %arg5[%swap3A_27, %swap3A_28, %swap3A_29] : memref<8x64x128xf32, #tpu.memory_space<vmem>>, vector<1x64x128xf32>
    %swap3A_31 = vector.shape_cast %swap3A_30 : vector<1x64x128xf32> to vector<64x128xf32>
    %swap3A_32 = vector.shape_cast %slice3A_26 : vector<64x128xf32> to vector<1x64x128xf32>
    tpu.vector_store %arg5[%swap3A_27, %swap3A_28, %swap3A_29], %swap3A_32 {strides = array<i32>} : memref<8x64x128xf32, #tpu.memory_space<vmem>>, vector<1x64x128xf32>,
    %slice3A_33 = vector.extract_strided_slice %add3A_13 {offsets = [0, 384], sizes = [64, 128], strides = [1, 1]} : vector<64x1024xf32> to vector<64x128xf32>
    %swap3A_34 = arith.constant 3 : index
    %swap3A_35 = arith.constant 0 : index
    %swap3A_36 = arith.constant 0 : index
    %swap3A_37 = vector.load %arg5[%swap3A_34, %swap3A_35, %swap3A_36] : memref<8x64x128xf32, #tpu.memory_space<vmem>>, vector<1x64x128xf32>
    %swap3A_38 = vector.shape_cast %swap3A_37 : vector<1x64x128xf32> to vector<64x128xf32>
    %swap3A_39 = vector.shape_cast %slice3A_33 : vector<64x128xf32> to vector<1x64x128xf32>
    tpu.vector_store %arg5[%swap3A_34, %swap3A_35, %swap3A_36], %swap3A_39 {strides = array<i32>} : memref<8x64x128xf32, #tpu.memory_space<vmem>>, vector<1x64x128xf32>,
    %slice3A_40 = vector.extract_strided_slice %add3A_13 {offsets = [0, 512], sizes = [64, 128], strides = [1, 1]} : vector<64x1024xf32> to vector<64x128xf32>
    %swap3A_41 = arith.constant 4 : index
    %swap3A_42 = arith.constant 0 : index
    %swap3A_43 = arith.constant 0 : index
    %swap3A_44 = vector.load %arg5[%swap3A_41, %swap3A_42, %swap3A_43] : memref<8x64x128xf32, #tpu.memory_space<vmem>>, vector<1x64x128xf32>
    %swap3A_45 = vector.shape_cast %swap3A_44 : vector<1x64x128xf32> to vector<64x128xf32>
    %swap3A_46 = vector.shape_cast %slice3A_40 : vector<64x128xf32> to vector<1x64x128xf32>
    tpu.vector_store %arg5[%swap3A_41, %swap3A_42, %swap3A_43], %swap3A_46 {strides = array<i32>} : memref<8x64x128xf32, #tpu.memory_space<vmem>>, vector<1x64x128xf32>,
    %slice3A_47 = vector.extract_strided_slice %add3A_13 {offsets = [0, 640], sizes = [64, 128], strides = [1, 1]} : vector<64x1024xf32> to vector<64x128xf32>
    %swap3A_48 = arith.constant 5 : index
    %swap3A_49 = arith.constant 0 : index
    %swap3A_50 = arith.constant 0 : index
    %swap3A_51 = vector.load %arg5[%swap3A_48, %swap3A_49, %swap3A_50] : memref<8x64x128xf32, #tpu.memory_space<vmem>>, vector<1x64x128xf32>
    %swap3A_52 = vector.shape_cast %swap3A_51 : vector<1x64x128xf32> to vector<64x128xf32>
    %swap3A_53 = vector.shape_cast %slice3A_47 : vector<64x128xf32> to vector<1x64x128xf32>
    tpu.vector_store %arg5[%swap3A_48, %swap3A_49, %swap3A_50], %swap3A_53 {strides = array<i32>} : memref<8x64x128xf32, #tpu.memory_space<vmem>>, vector<1x64x128xf32>,
    %slice3A_54 = vector.extract_strided_slice %add3A_13 {offsets = [0, 768], sizes = [64, 128], strides = [1, 1]} : vector<64x1024xf32> to vector<64x128xf32>
    %swap3A_55 = arith.constant 6 : index
    %swap3A_56 = arith.constant 0 : index
    %swap3A_57 = arith.constant 0 : index
    %swap3A_58 = vector.load %arg5[%swap3A_55, %swap3A_56, %swap3A_57] : memref<8x64x128xf32, #tpu.memory_space<vmem>>, vector<1x64x128xf32>
    %swap3A_59 = vector.shape_cast %swap3A_58 : vector<1x64x128xf32> to vector<64x128xf32>
    %swap3A_60 = vector.shape_cast %slice3A_54 : vector<64x128xf32> to vector<1x64x128xf32>
    tpu.vector_store %arg5[%swap3A_55, %swap3A_56, %swap3A_57], %swap3A_60 {strides = array<i32>} : memref<8x64x128xf32, #tpu.memory_space<vmem>>, vector<1x64x128xf32>,
    %slice3A_61 = vector.extract_strided_slice %add3A_13 {offsets = [0, 896], sizes = [64, 128], strides = [1, 1]} : vector<64x1024xf32> to vector<64x128xf32>
    %swap3A_62 = arith.constant 7 : index
    %swap3A_63 = arith.constant 0 : index
    %swap3A_64 = arith.constant 0 : index
    %swap3A_65 = vector.load %arg5[%swap3A_62, %swap3A_63, %swap3A_64] : memref<8x64x128xf32, #tpu.memory_space<vmem>>, vector<1x64x128xf32>
    %swap3A_66 = vector.shape_cast %swap3A_65 : vector<1x64x128xf32> to vector<64x128xf32>
    %swap3A_67 = vector.shape_cast %slice3A_61 : vector<64x128xf32> to vector<1x64x128xf32>
    tpu.vector_store %arg5[%swap3A_62, %swap3A_63, %swap3A_64], %swap3A_67 {strides = array<i32>} : memref<8x64x128xf32, #tpu.memory_space<vmem>>, vector<1x64x128xf32>,
    return
  }
  func.func @transform_0(%arg0: i32) -> (i32, i32) {
    %add3A = arith.constant 0 : i32
    %add3A_0 = arith.addi %arg0, %add3A : i32
    %c0_i32 = arith.constant 0 : i32
    %c0_i32_1 = arith.constant 0 : i32
    return %add3A_0, %c0_i32 : i32, i32
  }
  func.func @transform_1(%arg0: i32) -> (i32, i32) {
    %c0_i32 = arith.constant 0 : i32
    %c0_i32_0 = arith.constant 0 : i32
    %c0_i32_1 = arith.constant 0 : i32
    return %c0_i32, %c0_i32_0 : i32, i32
  }
  func.func @transform_2(%arg0: i32) -> (i32, i32) {
    %c0_i32 = arith.constant 0 : i32
    %c0_i32_0 = arith.constant 0 : i32
    %c0_i32_1 = arith.constant 0 : i32
    return %c0_i32, %c0_i32_0 : i32, i32
  }
  func.func @transform_3(%arg0: i32) -> (i32, i32) {
    %add3A = arith.constant 0 : i32
    %add3A_0 = arith.addi %arg0, %add3A : i32
    %c0_i32 = arith.constant 0 : i32
    %c0_i32_1 = arith.constant 0 : i32
    return %c0_i32, %add3A_0 : i32, i32
  }
  func.func @transform_4(%arg0: i32) -> (i32, i32, i32) {
    %c0_i32 = arith.constant 0 : i32
    %c0_i32_0 = arith.constant 0 : i32
    %c0_i32_1 = arith.constant 0 : i32
    return %arg0, %c0_i32, %c0_i32_0 : i32, i32, i32
  }
}

module attributes {stable_mosaic.version = 14 : i64} {
  func.func @_logits_block(%arg0: i32, %arg1: memref<1024x2048xf32, #tpu.memory_space<vmem>>, %arg2: memref<64x2048xf32, #tpu.memory_space<vmem>>, %arg3: memref<64x1xf32, #tpu.memory_space<vmem>>, %arg4: memref<64x1024xf32, #tpu.memory_space<vmem>>, %arg5: memref<8x64x128xf32, #tpu.memory_space<vmem>>) attributes {dimension_semantics = [#tpu.dimension_semantics<arbitrary>], iteration_bounds = array<i64: 4>, scalar_prefetch = 0 : i64, scratch_operands = 0 : i64, tpu.core_type = #tpu.core_type<tc>, window_params = [{transform_indices = @transform_0, window_bounds = array<i64: 1024, 2048>}, {pipeline_mode = #tpu.pipeline_mode<synchronous>, transform_indices = @transform_1, window_bounds = array<i64: 64, 2048>}, {pipeline_mode = #tpu.pipeline_mode<synchronous>, transform_indices = @transform_2, window_bounds = array<i64: 64, 1>}, {transform_indices = @transform_3, window_bounds = array<i64: 64, 1024>}, {transform_indices = @transform_4, window_bounds = array<i64: 8, 64, 128>}]} {
    %get3A = arith.constant 0 : index
    %get3A_0 = arith.constant 0 : index
    %get3A_1 = vector.load %arg1[%get3A, %get3A_0] : memref<1024x2048xf32, #tpu.memory_space<vmem>>, vector<1024x2048xf32>
    %get3A_2 = arith.constant 0 : index
    %get3A_3 = arith.constant 0 : index
    %get3A_4 = vector.load %arg2[%get3A_2, %get3A_3] : memref<64x2048xf32, #tpu.memory_space<vmem>>, vector<64x2048xf32>
    %dot_general3A = arith.constant dense<0.000000e+00> : vector<64x1024xf32>
    %dot_general3A_5 = tpu.matmul %get3A_4, %get3A_1, %dot_general3A {dimension_numbers = #tpu.dot_dimension_numbers<[1], [1], [0], [0], [0, 0, 1, 0], [], []>, transpose_lhs_hint = false} : vector<64x2048xf32>, vector<1024x2048xf32>, vector<64x1024xf32> -> vector<64x1024xf32>
    %get3A_6 = arith.constant 0 : index
    %get3A_7 = arith.constant 0 : index
    %get3A_8 = vector.load %arg3[%get3A_6, %get3A_7] : memref<64x1xf32, #tpu.memory_space<vmem>>, vector<64x1xf32>
    %add3A = vector.broadcast %get3A_8 : vector<64x1xf32> to vector<64x1024xf32>
    %add3A_9 = arith.addf %dot_general3A_5, %add3A : vector<64x1024xf32>
    %get3A_10 = arith.constant 0 : index
    %get3A_11 = arith.constant 0 : index
    %get3A_12 = vector.load %arg4[%get3A_10, %get3A_11] : memref<64x1024xf32, #tpu.memory_space<vmem>>, vector<64x1024xf32>
    %add3A_13 = arith.addf %add3A_9, %get3A_12 : vector<64x1024xf32>
    %slice3A = vector.extract_strided_slice %add3A_13 {offsets = [0, 0], sizes = [64, 128], strides = [1, 1]} : vector<64x1024xf32> to vector<64x128xf32>
    %swap3A = arith.constant 0 : index
    %swap3A_14 = arith.constant 0 : index
    %swap3A_15 = arith.constant 0 : index
    %swap3A_16 = vector.load %arg5[%swap3A, %swap3A_14, %swap3A_15] : memref<8x64x128xf32, #tpu.memory_space<vmem>>, vector<1x64x128xf32>
    %swap3A_17 = vector.shape_cast %swap3A_16 : vector<1x64x128xf32> to vector<64x128xf32>
    %swap3A_18 = vector.shape_cast %slice3A : vector<64x128xf32> to vector<1x64x128xf32>
    tpu.vector_store %arg5[%swap3A, %swap3A_14, %swap3A_15], %swap3A_18 {strides = array<i32>} : memref<8x64x128xf32, #tpu.memory_space<vmem>>, vector<1x64x128xf32>,
    %slice3A_19 = vector.extract_strided_slice %add3A_13 {offsets = [0, 128], sizes = [64, 128], strides = [1, 1]} : vector<64x1024xf32> to vector<64x128xf32>
    %swap3A_20 = arith.constant 1 : index
    %swap3A_21 = arith.constant 0 : index
    %swap3A_22 = arith.constant 0 : index
    %swap3A_23 = vector.load %arg5[%swap3A_20, %swap3A_21, %swap3A_22] : memref<8x64x128xf32, #tpu.memory_space<vmem>>, vector<1x64x128xf32>
    %swap3A_24 = vector.shape_cast %swap3A_23 : vector<1x64x128xf32> to vector<64x128xf32>
    %swap3A_25 = vector.shape_cast %slice3A_19 : vector<64x128xf32> to vector<1x64x128xf32>
    tpu.vector_store %arg5[%swap3A_20, %swap3A_21, %swap3A_22], %swap3A_25 {strides = array<i32>} : memref<8x64x128xf32, #tpu.memory_space<vmem>>, vector<1x64x128xf32>,
    %slice3A_26 = vector.extract_strided_slice %add3A_13 {offsets = [0, 256], sizes = [64, 128], strides = [1, 1]} : vector<64x1024xf32> to vector<64x128xf32>
    %swap3A_27 = arith.constant 2 : index
    %swap3A_28 = arith.constant 0 : index
    %swap3A_29 = arith.constant 0 : index
    %swap3A_30 = vector.load %arg5[%swap3A_27, %swap3A_28, %swap3A_29] : memref<8x64x128xf32, #tpu.memory_space<vmem>>, vector<1x64x128xf32>
    %swap3A_31 = vector.shape_cast %swap3A_30 : vector<1x64x128xf32> to vector<64x128xf32>
    %swap3A_32 = vector.shape_cast %slice3A_26 : vector<64x128xf32> to vector<1x64x128xf32>
    tpu.vector_store %arg5[%swap3A_27, %swap3A_28, %swap3A_29], %swap3A_32 {strides = array<i32>} : memref<8x64x128xf32, #tpu.memory_space<vmem>>, vector<1x64x128xf32>,
    %slice3A_33 = vector.extract_strided_slice %add3A_13 {offsets = [0, 384], sizes = [64, 128], strides = [1, 1]} : vector<64x1024xf32> to vector<64x128xf32>
    %swap3A_34 = arith.constant 3 : index
    %swap3A_35 = arith.constant 0 : index
    %swap3A_36 = arith.constant 0 : index
    %swap3A_37 = vector.load %arg5[%swap3A_34, %swap3A_35, %swap3A_36] : memref<8x64x128xf32, #tpu.memory_space<vmem>>, vector<1x64x128xf32>
    %swap3A_38 = vector.shape_cast %swap3A_37 : vector<1x64x128xf32> to vector<64x128xf32>
    %swap3A_39 = vector.shape_cast %slice3A_33 : vector<64x128xf32> to vector<1x64x128xf32>
    tpu.vector_store %arg5[%swap3A_34, %swap3A_35, %swap3A_36], %swap3A_39 {strides = array<i32>} : memref<8x64x128xf32, #tpu.memory_space<vmem>>, vector<1x64x128xf32>,
    %slice3A_40 = vector.extract_strided_slice %add3A_13 {offsets = [0, 512], sizes = [64, 128], strides = [1, 1]} : vector<64x1024xf32> to vector<64x128xf32>
    %swap3A_41 = arith.constant 4 : index
    %swap3A_42 = arith.constant 0 : index
    %swap3A_43 = arith.constant 0 : index
    %swap3A_44 = vector.load %arg5[%swap3A_41, %swap3A_42, %swap3A_43] : memref<8x64x128xf32, #tpu.memory_space<vmem>>, vector<1x64x128xf32>
    %swap3A_45 = vector.shape_cast %swap3A_44 : vector<1x64x128xf32> to vector<64x128xf32>
    %swap3A_46 = vector.shape_cast %slice3A_40 : vector<64x128xf32> to vector<1x64x128xf32>
    tpu.vector_store %arg5[%swap3A_41, %swap3A_42, %swap3A_43], %swap3A_46 {strides = array<i32>} : memref<8x64x128xf32, #tpu.memory_space<vmem>>, vector<1x64x128xf32>,
    %slice3A_47 = vector.extract_strided_slice %add3A_13 {offsets = [0, 640], sizes = [64, 128], strides = [1, 1]} : vector<64x1024xf32> to vector<64x128xf32>
    %swap3A_48 = arith.constant 5 : index
    %swap3A_49 = arith.constant 0 : index
    %swap3A_50 = arith.constant 0 : index
    %swap3A_51 = vector.load %arg5[%swap3A_48, %swap3A_49, %swap3A_50] : memref<8x64x128xf32, #tpu.memory_space<vmem>>, vector<1x64x128xf32>
    %swap3A_52 = vector.shape_cast %swap3A_51 : vector<1x64x128xf32> to vector<64x128xf32>
    %swap3A_53 = vector.shape_cast %slice3A_47 : vector<64x128xf32> to vector<1x64x128xf32>
    tpu.vector_store %arg5[%swap3A_48, %swap3A_49, %swap3A_50], %swap3A_53 {strides = array<i32>} : memref<8x64x128xf32, #tpu.memory_space<vmem>>, vector<1x64x128xf32>,
    %slice3A_54 = vector.extract_strided_slice %add3A_13 {offsets = [0, 768], sizes = [64, 128], strides = [1, 1]} : vector<64x1024xf32> to vector<64x128xf32>
    %swap3A_55 = arith.constant 6 : index
    %swap3A_56 = arith.constant 0 : index
    %swap3A_57 = arith.constant 0 : index
    %swap3A_58 = vector.load %arg5[%swap3A_55, %swap3A_56, %swap3A_57] : memref<8x64x128xf32, #tpu.memory_space<vmem>>, vector<1x64x128xf32>
    %swap3A_59 = vector.shape_cast %swap3A_58 : vector<1x64x128xf32> to vector<64x128xf32>
    %swap3A_60 = vector.shape_cast %slice3A_54 : vector<64x128xf32> to vector<1x64x128xf32>
    tpu.vector_store %arg5[%swap3A_55, %swap3A_56, %swap3A_57], %swap3A_60 {strides = array<i32>} : memref<8x64x128xf32, #tpu.memory_space<vmem>>, vector<1x64x128xf32>,
    %slice3A_61 = vector.extract_strided_slice %add3A_13 {offsets = [0, 896], sizes = [64, 128], strides = [1, 1]} : vector<64x1024xf32> to vector<64x128xf32>
    %swap3A_62 = arith.constant 7 : index
    %swap3A_63 = arith.constant 0 : index
    %swap3A_64 = arith.constant 0 : index
    %swap3A_65 = vector.load %arg5[%swap3A_62, %swap3A_63, %swap3A_64] : memref<8x64x128xf32, #tpu.memory_space<vmem>>, vector<1x64x128xf32>
    %swap3A_66 = vector.shape_cast %swap3A_65 : vector<1x64x128xf32> to vector<64x128xf32>
    %swap3A_67 = vector.shape_cast %slice3A_61 : vector<64x128xf32> to vector<1x64x128xf32>
    tpu.vector_store %arg5[%swap3A_62, %swap3A_63, %swap3A_64], %swap3A_67 {strides = array<i32>} : memref<8x64x128xf32, #tpu.memory_space<vmem>>, vector<1x64x128xf32>,
    return
  }
  func.func @transform_0(%arg0: i32) -> (i32, i32) {
    %add3A = arith.constant 4 : i32
    %add3A_0 = arith.addi %arg0, %add3A : i32
    %c0_i32 = arith.constant 0 : i32
    %c0_i32_1 = arith.constant 0 : i32
    return %add3A_0, %c0_i32 : i32, i32
  }
  func.func @transform_1(%arg0: i32) -> (i32, i32) {
    %c0_i32 = arith.constant 0 : i32
    %c0_i32_0 = arith.constant 0 : i32
    %c0_i32_1 = arith.constant 0 : i32
    return %c0_i32, %c0_i32_0 : i32, i32
  }
  func.func @transform_2(%arg0: i32) -> (i32, i32) {
    %c0_i32 = arith.constant 0 : i32
    %c0_i32_0 = arith.constant 0 : i32
    %c0_i32_1 = arith.constant 0 : i32
    return %c0_i32, %c0_i32_0 : i32, i32
  }
  func.func @transform_3(%arg0: i32) -> (i32, i32) {
    %add3A = arith.constant 4 : i32
    %add3A_0 = arith.addi %arg0, %add3A : i32
    %c0_i32 = arith.constant 0 : i32
    %c0_i32_1 = arith.constant 0 : i32
    return %c0_i32, %add3A_0 : i32, i32
  }
  func.func @transform_4(%arg0: i32) -> (i32, i32, i32) {
    %c0_i32 = arith.constant 0 : i32
    %c0_i32_0 = arith.constant 0 : i32
    %c0_i32_1 = arith.constant 0 : i32
    return %arg0, %c0_i32, %c0_i32_0 : i32, i32, i32
  }
}

</mosaic_0001>

<sc_bundles>
// kernel: kernel.6.cloned.1.call-start
scs
__scs_entry_jumppad:
0x0: {  	(pc) =	sbr.rel $0x88, $3  }
0x1: {  	(tag) =	ssettag $0x0;
	lr =	simm.s32 $0x1  }
0x2: {  	[smem:$0x3F9D] =	sst lr;
	_ =	strace $0xD0000000  }
0x3: {  	_ = 	snop  }
0x4: {  	_ = 	snop  }
0x5: {  	_ = 	snop  }
0x6: {  	_ = 	snop  }
0x7: {  	_ = 	snop  }
__scs_overlays_trampoline_lowered:
0x8: {  	[smem:$0x3FAC] =	sst s0  }
0x9: {  	[smem:$0x3FAD] =	sst s1  }
0xa: {  	[smem:$0x3FAE] =	sst s2  }
0xb: {  	[smem:$0x3FAF] =	sst s3  }
0xc: {  	[smem:$0x3FB0] =	sst s4  }
0xd: {  	[smem:$0x3FB1] =	sst s5  }
0xe: {  	[smem:$0x3FB2] =	sst s6  }
0xf: {  	[smem:$0x3FB3] =	sst s7  }
0x10: {  	[smem:$0x3FB4] =	sst s8  }
0x11: {  	[smem:$0x3FB5] =	sst s9;
	s0 =	simm.s32 @!p0 $0x0  }
0x12: {  	s1 =	sld [smem:$0x3F9B];
	s0 =	simm.s32 @p0 $0x1  }
0x13: {  	[smem:$0x3FB6] =	sst s0;
	s0 =	simm.s32 @!p1 $0x0  }
0x14: {  	s2 =	sld [smem:$0x3F9A];
	s0 =	simm.s32 @p1 $0x1  }
0x15: {  	[smem:$0x3FB7] =	sst s0;
	s0 =	simm.s32 @!p2 $0x0  }
0x16: {  	s3 =	sld [smem:$0x3FDB];
	s0 =	simm.s32 @p2 $0x1  }
0x17: {  	s4 =	simm.s32 $0x1BF5;
	[smem:$0x3FB9] =	sst s0  }
0x18: {  	s0 =	sld [smem:$0x3F9C];
	_ =	swait.ge [sflag:s4], $0x0  }
0x19: {  	s7 =	sld [smem:$0x3F9D]  }
0x1a: {  	s8 =	sadd.s32 $0xFFFFE003, lr  }
0x1b: {  	s9 =	sadd.s32 $0xFFFFFEF7, lr;
	s5 =	simm.s32 $0xFFFFFFFF;
	p2 =	slt.u32 s8, $0xFFFFF086  }
0x1c: {  	p1 =	slt.u32 s9, $0xF7A;
	s5 =	simm.s32 @!p2 $0x0  }
0x1d: {  	s5 =	simm.s32 @p1 $0x1;
	p0 =	seq.s32 s7, s2  }
0x1e: {  	s7 =	smul.u32 @!p0 $0xF7A, s2;
	p2 =	seq.s32 @!p0 s5, $0x0  }
0x1f: {  	s9 =	smul.u32 $0xF7A, s1;
	s8 =	simm.s32 @!p0 $0x1BF5;
	p2 =	por !p2, p0  }
0x20: {  	[sflag:s8] =	ssyncset.s32 @!p0 $0xFFFFF086;
	s6 =	sadd.s32 @!p0 s3, s7;
	s7 =	simm.s32 @!p0 $0x108  }
0x21: {  	s3 =	sadd.s32 s3, s9;
	s6 =	sadd.s32 @!p0 $0x88, s6;
	s7 =	simm.s32 @p2 $0x1082  }
0x22: {  	[simem:s7], [sflag:s8] =	dma.local @!p0 [hbm:s6], $0xF7A  }
0x23: {  	s9 =	sor.u32 $0xD0000000, s2;
	s6 =	simm.s32 $0x108;
	_ =	swait.ge @!p0 [sflag:s8], $0x0  }
0x24: {  	s3 =	sadd.s32 $0x88, s3;
	s6 =	simm.s32 @!p1 $0x1082;
	[sflag:s4] =	ssyncset.s32 $0xFFFFF086  }
0x25: {  	[simem:s6], [sflag:s4] =	dma.local [hbm:s3], $0xF7A  }
0x26: {  	[smem:$0x3F9D] =	sst s1;
	(tag) =	ssettag s2;
	_ =	strace s9  }
0x27: {  	s1 =	sld [smem:$0x3FAD]  }
0x28: {  	s2 =	sld [smem:$0x3FAE]  }
0x29: {  	s4 =	sld [smem:$0x3FB0]  }
0x2a: {  	p0 =	seq.s32 s5, $0x0;
	s5 =	sld [smem:$0x3FB1]  }
0x2b: {  	s6 =	sld [smem:$0x3FB2]  }
0x2c: {  	s7 =	sld [smem:$0x3FB3]  }
0x2d: {  	s3 =	simm.s32 $0x108;
	s8 =	sld [smem:$0x3FB4]  }
0x2e: {  	s3 =	simm.s32 @!p0 $0x1082;
	s9 =	sld [smem:$0x3FB5]  }
0x2f: {  	lr =	sadd.s32 s0, s3;
	s0 =	sld [smem:$0x3FAC]  }
0x30: {  	s3 =	sld [smem:$0x3FAF]  }
0x31: {  	[smem:$0x3FB8] =	sst s10  }
0x32: {  	s10 =	sld [smem:$0x3FB6];
	_ =	sdelay $0x3  }
0x33: {  	p0 =	seq.s32 s10, $0x1;
	s10 =	sld [smem:$0x3FB8];
	_ =	sdelay $0x3  }
0x34: {  	[smem:$0x3FB8] =	sst s10  }
0x35: {  	s10 =	sld [smem:$0x3FB7];
	_ =	sdelay $0x3  }
0x36: {  	p1 =	seq.s32 s10, $0x1;
	s10 =	sld [smem:$0x3FB8];
	_ =	sdelay $0x3  }
0x37: {  	[smem:$0x3FB8] =	sst s10  }
0x38: {  	s10 =	sld [smem:$0x3FB9]  }
0x39: {  	_ = 	snop;
	(pc) =	sbr.ind lr, $3  }
0x3a: {  	_ = 	snop  }
0x3b: {  	_ = 	snop  }
0x3c: {  	p2 =	seq.s32 s10, $0x1;
	s10 =	sld [smem:$0x3FB8]  }
0x3d: {  	_ =	shalt  }
0x3e: {  	_ =	shalt  }
0x3f: {  	_ =	shalt  }
0x40: {  	_ =	shalt  }
0x41: {  	_ =	shalt  }
0x42: {  	_ =	shalt  }
0x43: {  	_ =	shalt  }
0x44: {  	_ =	shalt  }
0x45: {  	_ =	shalt  }
0x46: {  	_ =	shalt  }
0x47: {  	_ =	shalt  }
0x48: {  	_ =	shalt  }
0x49: {  	_ =	shalt  }
0x4a: {  	_ =	shalt  }
0x4b: {  	_ =	shalt  }
0x4c: {  	_ =	shalt  }
0x4d: {  	_ =	shalt  }
0x4e: {  	_ =	shalt  }
0x4f: {  	_ =	shalt  }
0x50: {  	_ =	shalt  }
0x51: {  	_ =	shalt  }
0x52: {  	_ =	shalt  }
0x53: {  	_ =	shalt  }
0x54: {  	_ =	shalt  }
0x55: {  	_ =	shalt  }
0x56: {  	_ =	shalt  }
0x57: {  	_ =	shalt  }
0x58: {  	_ =	shalt  }
0x59: {  	_ =	shalt  }
0x5a: {  	_ =	shalt  }
0x5b: {  	_ =	shalt  }
0x5c: {  	_ =	shalt  }
0x5d: {  	_ =	shalt  }
0x5e: {  	_ =	shalt  }
0x5f: {  	_ =	shalt  }
0x60: {  	_ =	shalt  }
0x61: {  	_ =	shalt  }
0x62: {  	_ =	shalt  }
0x63: {  	_ =	shalt  }
0x64: {  	_ =	shalt  }
0x65: {  	_ =	shalt  }
0x66: {  	_ =	shalt  }
0x67: {  	_ =	shalt  }
0x68: {  	_ =	shalt  }
0x69: {  	_ =	shalt  }
0x6a: {  	_ =	shalt  }
0x6b: {  	_ =	shalt  }
0x6c: {  	_ =	shalt  }
0x6d: {  	_ =	shalt  }
0x6e: {  	_ =	shalt  }
0x6f: {  	_ =	shalt  }
0x70: {  	_ =	shalt  }
0x71: {  	_ =	shalt  }
0x72: {  	_ =	shalt  }
0x73: {  	_ =	shalt  }
0x74: {  	_ =	shalt  }
0x75: {  	_ =	shalt  }
0x76: {  	_ =	shalt  }
0x77: {  	_ =	shalt  }
0x78: {  	_ =	shalt  }
0x79: {  	_ =	shalt  }
0x7a: {  	_ =	shalt  }
0x7b: {  	_ =	shalt  }
0x7c: {  	_ =	shalt  }
0x7d: {  	_ =	shalt  }
0x7e: {  	_ =	shalt  }
0x7f: {  	_ =	shalt  }
0x80: {  	_ =	shalt  }
0x81: {  	_ =	shalt  }
0x82: {  	_ =	shalt  }
0x83: {  	_ =	shalt  }
0x84: {  	_ =	shalt  }
0x85: {  	_ =	shalt  }
0x86: {  	_ =	shalt  }
0x87: {  	_ =	shalt  }
.Lfunc_end0:
.L_simem_size_0:
called_computation_lowered:
.L_overlay_start_0:
0x88: {  	s2 =	sld [smem:$0x3FD9]  }
0x89: {  	s3 =	sld [smem:$0x3FFE];
	_ =	sdelay $0x1  }
0x8a: {  	s1 =	srdreg.scid  }
0x8b: {  	s0 =	sand.u32 $0x1, s1  }
0x8c: {  	s14 =	sshll.u32 s0, $0xA;
	s2 =	sadd.s32 s3, s2  }
0x8d: {  	s2 =	sadd.s32 s2, s14  }
0x8e: {  	[smem:$0x3FC4] =	sst s2  }
0x8f: {  	_ = 	snop  }
0x90: {  	s2 =	sld [smem:$0x3FD0];
	_ =	sdelay $0x2  }
0x91: {  	s15 =	simm.s32 $0xB;
	s4 =	simm.s32 $0x10  }
0x92: {  	[smem:s4], [sflag:s15] =	dma.local [hbm:s2], $0x1  }
0x93: {  	_ =	swait.eq [sflag:s15], $0x1  }
0x94: {  	[sflag:s15] =	ssyncset.done $0x0  }
0x95: {  	s16 =	sld [smem:$0x10];
	[sflag:s15] =	ssyncadd.s32 $0xFFFFFFFF  }
0x96: {  	s17 =	sld [smem:$0x11];
	(tm) =	ssettm $0x1  }
0x97: {  	s18 =	sld [smem:$0x3FFB];
	_ =	sdelay $0x3  }
0x98: {  	_ =	strace s18  }
0x99: {  	s4 =	sld [smem:$0x3FFC];
	_ =	sdelay $0x3  }
0x9a: {  	_ =	strace s4  }
0x9b: {  	s4 =	sld [smem:$0x3FFD];
	_ =	sdelay $0x3  }
0x9c: {  	_ =	strace s4  }
0x9d: {  	_ =	strace $0x8FFFFFFF  }
0x9e: {  	s19 =	sld [smem:$0x3FDB];
	_ =	sdelay $0x1  }
0x9f: {  	s5 =	simm.s32 $_scs_section_size  }
0xa0: {  	s6 =	simm.s32 $_size__tile_overlayer_lowered;
	s7 =	simm.s32 $_tile_overlayer_lowered  }
0xa1: {  	s22 =	simm.s32 $0x1BFF;
	s21 =	sshll.u32 s7, $0x1;
	s4 =	sadd.s32 s5, s19  }
0xa2: {  	s8 =	simm.s32 $0x0;
	s20 =	sshll.u32 s6, $0x1;
	s6 =	sadd.s32 s21, s4  }
0xa3: {  	[timem:s8], [sflag:s22] =	dma.local [hbm:s6], s20  }
0xa4: {  	_ =	swait.ge [sflag:s22], s20  }
0xa5: {  	s5 =	ssub.s32 $0x0, s20;
	[sflag:s22] =	ssyncset.done $0x0  }
0xa6: {  	[sflag:s22] =	ssyncadd.s32 s5;
	_ =	sdelay $0x1  }
0xa7: {  	s23 =	simm.s32 $0x1B8B  }
0xa8: {  	_ =	swait.ge [sflag:s23], $0x1  }
0xa9: {  	[sflag:s23] =	ssyncset.done $0x0  }
0xaa: {  	s25 =	simm.s32 $0x1B8E;
	s24 =	sld [smem:$0x3FFE];
	[sflag:s23] =	ssyncadd.s32 $0xFFFFFFFF  }
0xab: {  	s26 =	simm.s32 $execute0_lowered;
	[smem:$0x3FD2] =	sst s25  }
0xac: {  	s6 =	sshll.u32 s26, $0x1;
	_ =	strace $0x80000046;
	[dreg:$0x1] =	wrdreg $0xFFFFFFFF  }
0xad: {  	s28 =	simm.s32 $_size_execute0_lowered;
	s4 =	sadd.s32 s4, s6;
	[dreg:$0x0] =	wrdreg $0x0  }
0xae: {  	s6 =	sshll.u32 s28, $0x1;
	[dreg:$0x2] =	wrdreg s4  }
0xaf: {  	[dreg:$0x3] =	wrdreg s6  }
0xb0: {  	[dreg:$0x4] =	wrdreg $0xC0  }
0xb1: {  	_ =	task [dreg:s8], $0x5FFFF  }
0xb2: {  	[dreg:$0x1] =	wrdreg $0xFFFFFFFF  }
0xb3: {  	[dreg:$0x0] =	wrdreg $0x60  }
0xb4: {  	[dreg:$0x2] =	wrdreg s16  }
0xb5: {  	[dreg:$0x3] =	wrdreg s17  }
0xb6: {  	[dreg:$0x4] =	wrdreg s24  }
0xb7: {  	[dreg:$0x5] =	wrdreg $0x9  }
0xb8: {  	_ =	task.clear_ibuf [dreg:s8], $0x6FFFF;
	_ =	strace $0x90000046  }
0xb9: {  	s29 =	simm.s32 $0x9;
	_ =	strace $0x80000048  }
0xba: {  	_ =	swait.ge [sflag:s29], $0x1  }
0xbb: {  	[sflag:s29] =	ssyncadd.s32 $0xFFFFFFFF  }
0xbc: {  	_ =	strace $0x90000048  }
0xbd: {  	_ =	sfence  }
0xbe: {  	s30 =	sld [smem:$0x0];
	_ =	sdelay $0x2  }
0xbf: {  	s31 =	sshll.u32 s1, $0xD;
	s1 =	sshrl.u32 s1, $0x2  }
0xc0: {  	s3 =	sand.u32 $0x4000, s31;
	s1 =	sadd.s32 s1, s30  }
0xc1: {  	s0 =	sor.u32 s3, s0;
	s1 =	sshll.u32 s1, $0x11  }
0xc2: {  	s0 =	sor.u32 s1, s0  }
0xc3: {  	s0 =	sadd.s32 $0x8F2B, s0  }
0xc4: {  	[sflag:s0] =	ssyncadd.remote.s32 $0x1  }
0xc5: {  	_ =	sfence.sel $0xFFFF  }
0xc6: {  	[dreg:$0x0] =	wrdreg $0xFFFFFFFF;
	(pc) =	sbr.abs _section_cstart, $3  }
0xc7: {  	[dreg:$0x1] =	wrdreg $0xFFFFFFFF  }
0xc8: {  	_ =	task.clear_ibuf [dreg:s8], $0x2FFFF;
	_ =	strace $0x9FFFFFFF  }
0xc9: {  	(tm) =	ssettm $0x7FFFFFFF  }
tec
execute0_lowered:
.L_overlay_start_1:
0x0: {  	(tag) =	ssettag $0x1  }
0x1: {  	s4 =	rddreg [dreg:$0x0]  }
0x2: {  	s1 =	rddreg [dreg:$0x1]  }
0x3: {  	s5 =	rddreg [dreg:$0x2]  }
0x4: {  	s0 =	rddreg [dreg:$0x3]  }
0x5: {  	s6 =	srdreg.scid;
	s2 =	stileid.u32  }
0x6: {  	s3 =	simm.s32 $0x0;
	s6 =	sand.u32 $0x1, s6;
	s7 =	sshll.u32 s2, $0x1  }
0x7: {  	s11 =	simm.s32 $0x0;
	[smem:$0x7FF] =	sst s3;
	s7 =	sor.u32 s6, s7  }
0x8: {  	_ =	strace $0x80000047;
	s6 =	ssub.s32 $0x2, s6;
	s8 =	sshll.u32 s7, $0xA  }
0x9: {  	s7 =	sshll.u32 s7, $0x7;
	s31 =	sshrl.u32 s6, $0x1;
	s9 =	sadd.s32 s8, s5  }
0xa: {  	s7 =	sadd.s32 s7, s5;
	s10 =	ssub.s32 s6, s31;
	s4 =	sadd.s32 s4, s8  }
0xb: {  	s8 =	simm.s32 $0x1;
	s5 =	sadd.s32 $0x2A00, s9;
	s6 =	sadd.s32 $0x1A00, s7  }
0xc: {  	v0 =	vlaneseq.u32;
	s7 =	smax.u32 s10, $0x1;
	s9 =	simm.s32 $0x2000;
	s10 =	simm.s32 $0x4000  }
.LBB2_1:
0xd: {  	[tilespmem:s3], [sflag:$0x1] =	stream.linear.gather [hbm4b:s4+s3], $0x2000, $0x38;
	[tilespmem:$0x4400] =	vst v63  }
0xe: {  	_ =	swait.ge [sflag:s8], $0x2000  }
0xf: {  	[sflag:s8] =	ssyncset.done $0x0  }
0x10: {  	[sflag:s8] =	ssyncadd.s32 $0xFFFFE000  }
0x11: {  	[tilespmem:s9], [sflag:$0x1] =	stream.linear.gather [hbm4b:s1+s3], $0x2000, $0x38;
	[tilespmem:$0x4400] =	vst v63  }
0x12: {  	_ =	swait.ge [sflag:s8], $0x2000  }
0x13: {  	[sflag:s8] =	ssyncset.done $0x0  }
0x14: {  	s12 =	simm.s32 $0x0;
	s13 =	simm.s32 $0x0;
	[sflag:s8] =	ssyncadd.s32 $0xFFFFE000  }
.LBB2_2:
0x15: {  	v2 =	vld [tilespmem:s12+$0x0]  }
0x16: {  	s17 =	sadd.s32 $0x80, s12  }
0x17: {  	v23 =	vld [tilespmem:s17+$0x0];
	_ =	sdelay $0x1  }
0x18: {  	v12 =	vimm.f32 $-Inf;
	v1 =	vimm.s32 $0x0  }
0x19: {  	s14 =	simm.s32 $0x0;
	v9 =	vimm.s32 $0x0;
	v26 =	vimm.f32 $-Inf;
	vm0 =	vgt.f32 v2, v12  }
0x1a: {  	v3 =	vsel vm0, v12, v2;
	v6 =	vnsel vm0, s14, v1;
	v21 =	vsel vm0, v2, v12  }
0x1b: {  	v8 =	vsel vm0, s14, v1;
	vm1 =	vgt.f32 v3, v12;
	vm0 =	vgt.f32 v23, v21  }
0x1c: {  	v4 =	vsel vm1, v12, v3;
	v7 =	vsel vm1, v1, v6;
	v20 =	vsel vm1, v3, v12  }
0x1d: {  	s15 =	simm.s32 $0x1;
	v6 =	vsel vm1, v6, v1;
	v24 =	vsel vm0, v21, v23;
	vm2 =	vgt.f32 v4, v12  }
0x1e: {  	v10 =	vnsel vm0, s15, v8;
	vm1 =	vgt.f32 v24, v20;
	v5 =	vsel vm2, v12, v4  }
0x1f: {  	v2 =	vsel vm2, v1, v7;
	v17 =	vsel vm2, v4, v12;
	vm3 =	vgt.f32 v5, v12  }
0x20: {  	v3 =	vsel vm2, v7, v1;
	v25 =	vsel vm1, v20, v24;
	v19 =	vsel vm3, v12, v5  }
0x21: {  	vm2 =	vgt.f32 v25, v17;
	v16 =	vsel vm3, v5, v12;
	vm7 =	vgt.f32 v19, v12  }
0x22: {  	v4 =	vsel vm3, v2, v1;
	v27 =	vsel vm2, v17, v25;
	v7 =	vsel vm7, v12, v19  }
0x23: {  	v2 =	vsel vm3, v1, v2;
	vm3 =	vgt.f32 v27, v16;
	vm4 =	vgt.f32 v7, v12  }
0x24: {  	v14 =	vsel vm7, v1, v2;
	v18 =	vsel vm4, v7, v12;
	v7 =	vsel vm4, v12, v7  }
0x25: {  	v5 =	vsel vm7, v2, v1;
	v15 =	vsel vm4, v1, v14;
	vm6 =	vgt.f32 v7, v12  }
0x26: {  	v28 =	vsel vm3, v16, v27;
	v2 =	vsel vm6, v15, v1;
	v29 =	vsel vm6, v12, v7  }
0x27: {  	s16 =	simm.s32 $0x2;
	s17 =	sadd.s32 $0x80, s17;
	s14 =	sshll.u32 s13, $0x4;
	v13 =	vmovc v4;
	v11 =	vmovc v5;
	v22 =	vsel vm6, v7, v12;
	v7 =	vimm.s32 $0x0;
	vm5 =	vgt.f32 v29, v12  }
.LBB2_3:
0x28: {  	v30 =	vld [tilespmem:s17+$0x0];
	p0 =	sne.s32 s16, $0x3F;
	v1 =	vsel vm4, v14, v1;
	v14 =	vsel vm6, v9, v15;
	v12 =	vsel vm5, v29, v12;
	v9 =	vmovc v2;
	s18 =	smov.u32 s16;
	s16 =	sadd.s32 $0x1, s16  }
0x29: {  	v15 =	vsel vm1, v6, v10;
	v26 =	vsel vm7, v19, v26;
	v19 =	vmovc v28;
	v7 =	vsel vm5, v14, v7  }
0x2a: {  	v21 =	vsel vm0, v23, v21;
	v20 =	vsel vm1, v24, v20;
	v14 =	vsel vm2, v3, v15  }
0x2b: {  	v17 =	vsel vm2, v25, v17;
	v16 =	vsel vm3, v27, v16;
	v3 =	vsel vm2, v15, v3  }
0x2c: {  	v8 =	vsel vm0, s15, v8;
	v6 =	vsel vm1, v10, v6;
	s15 =	smov.u32 s18;
	v4 =	vsel vm3, v14, v4  }
0x2d: {  	v14 =	vsel vm3, v13, v14;
	v13 =	vmovc v4;
	vm0 =	vgt.f32 v30, v21;
	v23 =	vmov v30  }
0x2e: {  	vm7 =	vgt.f32 v19, v26;
	v24 =	vsel vm0, v21, v23;
	v10 =	vnsel vm0, s15, v8  }
0x2f: {  	v15 =	vsel vm7, v26, v19;
	v5 =	vsel vm7, v14, v5;
	vm1 =	vgt.f32 v24, v20  }
.Ltmp0:
0x30: {  	v14 =	vsel vm7, v11, v14;
	vm4 =	vgt.f32 v15, v18;
	v11 =	vmovc v5;
	v25 =	vsel vm1, v20, v24;
	(pc) =	sbr.rel @p0 .LBB2_3-.Ltmp0, $4  }
0x31: {  	v30 =	vsel vm4, v18, v15;
	v18 =	vsel vm4, v15, v18;
	vm2 =	vgt.f32 v25, v17  }
0x32: {  	v15 =	vsel vm4, v1, v14;
	vm6 =	vgt.f32 v30, v22;
	v27 =	vsel vm2, v17, v25  }
0x33: {  	v2 =	vsel vm6, v15, v2;
	v29 =	vsel vm6, v22, v30;
	vm3 =	vgt.f32 v27, v16  }
0x34: {  	s17 =	sadd.s32 $0x80, s17;
	v22 =	vsel vm6, v30, v22;
	vm5 =	vgt.f32 v29, v12;
	v28 =	vsel vm3, v16, v27  }
0x35: {  	v21 =	vsel vm0, v23, v21  }
0x36: {  	v20 =	vsel vm1, v24, v20;
	v23 =	vsub.f32 v21, v21  }
0x37: {  	v19 =	vsel vm7, v19, v26;
	v20 =	vsub.f32 v20, v21  }
0x38: {  	v17 =	vsel vm2, v25, v17;
	v16 =	vsel vm3, v27, v16;
	v23 =	vmul.f32 $1.442695020e+00, v23  }
0x39: {  	vm9 =	vgt.f32 v28, v19;
	v17 =	vsub.f32 v17, v21;
	v20 =	vmul.f32 $1.442695020e+00, v20  }
0x3a: {  	v16 =	vsub.f32 v16, v21;
	v62 =	vsel vm9, v19, v28;
	(erf) = vpow2.f32 v23  }
0x3b: {  	v19 =	vsel vm9, v28, v19;
	v17 =	vmul.f32 $1.442695020e+00, v17;
	(erf) = vpow2.f32 v20  }
0x3c: {  	v12 =	vsel vm5, v29, v12;
	vm15 =	vgt.f32 v62, v18;
	v28 =	vsub.f32 v19, v21  }
0x3d: {  	v16 =	vmul.f32 $1.442695020e+00, v16;
	v63 =	vsel vm15, v18, v62;
	(erf) = vpow2.f32 v17  }
0x3e: {  	v29 =	vsel vm15, v62, v18;
	vm8 =	vgt.f32 v63, v22;
	v31 =	vmul.f32 $1.442695020e+00, v28  }
0x3f: {  	v32 =	vsub.f32 v29, v21;
	v30 =	vsel vm8, v22, v63;
	(erf) = vpow2.f32 v16  }
0x40: {  	v33 =	vsel vm8, v63, v22;
	vm10 =	vgt.f32 v30, v12  }
0x41: {  	v34 =	vmul.f32 $1.442695020e+00, v32;
	v35 =	vsub.f32 v33, v21;
	(erf) = vpow2.f32 v31  }
0x42: {  	v12 =	vsel vm10, v30, v12  }
0x43: {  	v37 =	vmul.f32 $1.442695020e+00, v35;
	v12 =	vsub.f32 v12, v21;
	v36 =	vpop (erf);
	(erf) = vpow2.f32 v34  }
0x44: {  	v38 =	vpop (erf)  }
0x45: {  	v12 =	vmul.f32 $1.442695020e+00, v12;
	(erf) = vpow2.f32 v37;
	v39 =	vadd.f32 v38, v36  }
0x46: {  	v40 =	vpop (erf)  }
0x47: {  	(erf) = vpow2.f32 v12;
	v41 =	vadd.f32 v40, v39  }
0x48: {  	v42 =	vpop (erf)  }
0x49: {  	v12 =	vadd.f32 v42, v41  }
0x4a: {  	v43 =	vpop (erf)  }
0x4b: {  	v12 =	vadd.f32 v43, v12  }
0x4c: {  	v44 =	vpop (erf)  }
0x4d: {  	v12 =	vadd.f32 v44, v12  }
0x4e: {  	v45 =	vpop (erf)  }
0x4f: {  	v12 =	vadd.f32 v45, v12  }
0x50: {  	v46 =	vpop (erf)  }
0x51: {  	v12 =	vadd.f32 v46, v12;
	_ =	sdelay $0x1  }
0x52: {  	(erf) = vrcp.f32 v12;
	_ =	sdelay $0x4  }
0x53: {  	v8 =	vsel vm0, s15, v8  }
0x54: {  	v47 =	vor.u32 s14, v0;
	v48 =	vshll.u32 v8, $0x7  }
0x55: {  	v49 =	vsel vm1, v10, v6;
	v24 =	vadd.s32 v47, v48  }
0x56: {  	v50 =	vsel vm1, v6, v10;
	v51 =	vshll.u32 v49, $0x7  }
0x57: {  	v52 =	vsel vm2, v50, v3;
	v10 =	vadd.s32 v47, v51;
	v53 =	vpop (erf)  }
0x58: {  	v3 =	vsel vm2, v3, v50;
	v55 =	vshll.u32 v52, $0x7;
	v54 =	vmul.f32 v53, v36  }
0x59: {  	v4 =	vsel vm3, v3, v4;
	v18 =	vadd.s32 v47, v55  }
0x5a: {  	v3 =	vsel vm3, v13, v3;
	v57 =	vshll.u32 v4, $0x7;
	v56 =	vmul.f32 v53, v38;
	[tilespmem:v24+s9+$0x0] =	vst.idx.msk $0xffff, v54  }
0x5b: {  	v1 =	vsel vm4, v14, v1;
	v5 =	vsel vm9, v3, v5;
	v58 =	vadd.s32 v47, v57;
	[tilespmem:s14+$0x4000] =	vst v8  }
0x5c: {  	v3 =	vsel vm9, v11, v3;
	v60 =	vshll.u32 v5, $0x7;
	v59 =	vmul.f32 v53, v40;
	[tilespmem:v10+s9+$0x0] =	vst.idx.msk $0xffff, v56  }
0x5d: {  	v9 =	vsel vm6, v9, v15;
	v11 =	vsel vm15, v3, v1;
	v10 =	vadd.s32 v47, v60;
	[tilespmem:s14+$0x4080] =	vst v49  }
0x5e: {  	v1 =	vsel vm15, v1, v3;
	v61 =	vshll.u32 v11, $0x7;
	v3 =	vmul.f32 v53, v42;
	[tilespmem:v18+s9+$0x0] =	vst.idx.msk $0xffff, v59  }
0x5f: {  	v7 =	vsel vm5, v9, v7;
	v62 =	vsel vm8, v1, v2;
	v6 =	vadd.s32 v47, v61;
	[tilespmem:s14+$0x4100] =	vst v52  }
0x60: {  	v1 =	vsel vm8, v2, v1;
	v2 =	vmul.f32 v53, v43;
	[tilespmem:v58+s9+$0x0] =	vst.idx.msk $0xffff, v3;
	v3 =	vshll.u32 v62, $0x7  }
0x61: {  	v1 =	vsel vm10, v1, v7;
	[tilespmem:s14+$0x4180] =	vst v4;
	v3 =	vadd.s32 v47, v3  }
0x62: {  	v63 =	vshll.u32 v1, $0x7;
	[tilespmem:v10+s9+$0x0] =	vst.idx.msk $0xffff, v2;
	v2 =	vmul.f32 v53, v44  }
0x63: {  	s13 =	sadd.s32 $0x1, s13;
	v4 =	vadd.s32 v47, v63;
	[tilespmem:s14+$0x4200] =	vst v5  }
0x64: {  	p0 =	sne.s32 s13, $0x8;
	[tilespmem:v6+s9+$0x0] =	vst.idx.msk $0xffff, v2;
	v2 =	vmul.f32 v53, v45  }
.Ltmp1:
0x65: {  	[tilespmem:s14+$0x4280] =	vst v11;
	(pc) =	sbr.rel @p0 .LBB2_2-.Ltmp1, $4  }
0x66: {  	[tilespmem:v3+s9+$0x0] =	vst.idx.msk $0xffff, v2;
	v2 =	vmul.f32 v53, v46  }
0x67: {  	[tilespmem:s14+$0x4300] =	vst v62  }
0x68: {  	[tilespmem:v4+s9+$0x0] =	vst.idx.msk $0xffff, v2  }
0x69: {  	s12 =	sadd.s32 $0x10, s12;
	[tilespmem:s14+$0x4380] =	vst v1  }
0x6a: {  	[hbm4b:s5+s3] =	stream.linear.scatter [tilespmem:s9], [sflag:$0x1], $0x2000, $0x38;
	[tilespmem:$0x4400] =	vst v63  }
0x6b: {  	s11 =	sadd.s32 $0x1, s11;
	_ =	swait.ge [sflag:s8], $0x2000  }
0x6c: {  	p0 =	sne.s32 s11, s7;
	[sflag:s8] =	ssyncset.done $0x0  }
.Ltmp2:
0x6d: {  	[sflag:s8] =	ssyncadd.s32 $0xFFFFE000;
	(pc) =	sbr.rel @p0 .LBB2_1-.Ltmp2, $4  }
0x6e: {  	[hbm4b:s6+s3] =	stream.linear.scatter [tilespmem:s10], [sflag:$0x1], $0x400, $0x38;
	[tilespmem:$0x4400] =	vst v63  }
0x6f: {  	_ =	swait.ge [sflag:s8], $0x400  }
0x70: {  	[sflag:s8] =	ssyncset.done $0x0  }
0x71: {  	[sflag:s8] =	ssyncadd.s32 $0xFFFFFC00  }
0x72: {  	_ =	sfence.sel $0x180000  }
0x73: {  	[bflag:$0x0] =	sbarrier.arrive $0xFFFF  }
0x74: {  	p0 =	sne.s32 s2, $0x0;
	_ =	strace $0x90000047  }
0x75: {  	s0 =	sadd.s32 @!p0 $0x100000, s0;
	[bflag:$0x2] =	sbarrier.arrive $0xFFFF  }
0x76: {  	[sflag:s0] =	ssyncadd.tile.s32 @!p0 $0x1;
	_ =	shalt  }
.Lfunc_end2:
_tile_overlayer_lowered:
.L_overlay_start_2:
0x77: {  	(tag) =	ssettag $0x2  }
0x78: {  	s0 =	rddreg [dreg:$0x0];
	s2 =	stileid.u32  }
0x79: {  	s1 =	rddreg [dreg:$0x1];
	p0 =	sne.s32 s2, $0x0  }
0x7a: {  	s3 =	rddreg [dreg:$0x2];
	[bflag:$0x3] =	sbarrier.arrive $0xFFFF;
	s2 =	simm.s32 @!p0 $0x1C01  }
0x7b: {  	[timem:s3], [sflag:s2] =	dma.local @!p0 [hbm:s0], s1  }
0x7c: {  	s0 =	simm.s32 @!p0 $0x1  }
0x7d: {  	_ =	swait.ge @!p0 [sflag:s0], s1  }
0x7e: {  	s1 =	ssub.s32 @!p0 $0x0, s1;
	[sflag:s0] =	ssyncset.done @!p0 $0x0  }
0x7f: {  	[sflag:s0] =	ssyncadd.s32 @!p0 s1  }
0x80: {  	[bflag:$0x3] =	sbarrier.arrive $0xFFFF  }
0x81: {  	_ =	shalt  }

// kernel: kernel.9.cloned.1.call-start
scs
__scs_entry_jumppad:
0x0: {  	(pc) =	sbr.rel $0x88, $3  }
0x1: {  	(tag) =	ssettag $0x0;
	lr =	simm.s32 $0x1  }
0x2: {  	[smem:$0x3F9D] =	sst lr;
	_ =	strace $0xD0000000  }
0x3: {  	_ = 	snop  }
0x4: {  	_ = 	snop  }
0x5: {  	_ = 	snop  }
0x6: {  	_ = 	snop  }
0x7: {  	_ = 	snop  }
__scs_overlays_trampoline_lowered:
0x8: {  	[smem:$0x3FAC] =	sst s0  }
0x9: {  	[smem:$0x3FAD] =	sst s1  }
0xa: {  	[smem:$0x3FAE] =	sst s2  }
0xb: {  	[smem:$0x3FAF] =	sst s3  }
0xc: {  	[smem:$0x3FB0] =	sst s4  }
0xd: {  	[smem:$0x3FB1] =	sst s5  }
0xe: {  	[smem:$0x3FB2] =	sst s6  }
0xf: {  	[smem:$0x3FB3] =	sst s7  }
0x10: {  	[smem:$0x3FB4] =	sst s8  }
0x11: {  	[smem:$0x3FB5] =	sst s9;
	s0 =	simm.s32 @!p0 $0x0  }
0x12: {  	s1 =	sld [smem:$0x3F9B];
	s0 =	simm.s32 @p0 $0x1  }
0x13: {  	[smem:$0x3FB6] =	sst s0;
	s0 =	simm.s32 @!p1 $0x0  }
0x14: {  	s2 =	sld [smem:$0x3F9A];
	s0 =	simm.s32 @p1 $0x1  }
0x15: {  	[smem:$0x3FB7] =	sst s0;
	s0 =	simm.s32 @!p2 $0x0  }
0x16: {  	s3 =	sld [smem:$0x3FDB];
	s0 =	simm.s32 @p2 $0x1  }
0x17: {  	s4 =	simm.s32 $0x1BF5;
	[smem:$0x3FB9] =	sst s0  }
0x18: {  	s0 =	sld [smem:$0x3F9C];
	_ =	swait.ge [sflag:s4], $0x0  }
0x19: {  	s7 =	sld [smem:$0x3F9D]  }
0x1a: {  	s8 =	sadd.s32 $0xFFFFE003, lr  }
0x1b: {  	s9 =	sadd.s32 $0xFFFFFEF7, lr;
	s5 =	simm.s32 $0xFFFFFFFF;
	p2 =	slt.u32 s8, $0xFFFFF086  }
0x1c: {  	p1 =	slt.u32 s9, $0xF7A;
	s5 =	simm.s32 @!p2 $0x0  }
0x1d: {  	s5 =	simm.s32 @p1 $0x1;
	p0 =	seq.s32 s7, s2  }
0x1e: {  	s7 =	smul.u32 @!p0 $0xF7A, s2;
	p2 =	seq.s32 @!p0 s5, $0x0  }
0x1f: {  	s9 =	smul.u32 $0xF7A, s1;
	s8 =	simm.s32 @!p0 $0x1BF5;
	p2 =	por !p2, p0  }
0x20: {  	[sflag:s8] =	ssyncset.s32 @!p0 $0xFFFFF086;
	s6 =	sadd.s32 @!p0 s3, s7;
	s7 =	simm.s32 @!p0 $0x108  }
0x21: {  	s3 =	sadd.s32 s3, s9;
	s6 =	sadd.s32 @!p0 $0x88, s6;
	s7 =	simm.s32 @p2 $0x1082  }
0x22: {  	[simem:s7], [sflag:s8] =	dma.local @!p0 [hbm:s6], $0xF7A  }
0x23: {  	s9 =	sor.u32 $0xD0000000, s2;
	s6 =	simm.s32 $0x108;
	_ =	swait.ge @!p0 [sflag:s8], $0x0  }
0x24: {  	s3 =	sadd.s32 $0x88, s3;
	s6 =	simm.s32 @!p1 $0x1082;
	[sflag:s4] =	ssyncset.s32 $0xFFFFF086  }
0x25: {  	[simem:s6], [sflag:s4] =	dma.local [hbm:s3], $0xF7A  }
0x26: {  	[smem:$0x3F9D] =	sst s1;
	(tag) =	ssettag s2;
	_ =	strace s9  }
0x27: {  	s1 =	sld [smem:$0x3FAD]  }
0x28: {  	s2 =	sld [smem:$0x3FAE]  }
0x29: {  	s4 =	sld [smem:$0x3FB0]  }
0x2a: {  	p0 =	seq.s32 s5, $0x0;
	s5 =	sld [smem:$0x3FB1]  }
0x2b: {  	s6 =	sld [smem:$0x3FB2]  }
0x2c: {  	s7 =	sld [smem:$0x3FB3]  }
0x2d: {  	s3 =	simm.s32 $0x108;
	s8 =	sld [smem:$0x3FB4]  }
0x2e: {  	s3 =	simm.s32 @!p0 $0x1082;
	s9 =	sld [smem:$0x3FB5]  }
0x2f: {  	lr =	sadd.s32 s0, s3;
	s0 =	sld [smem:$0x3FAC]  }
0x30: {  	s3 =	sld [smem:$0x3FAF]  }
0x31: {  	[smem:$0x3FB8] =	sst s10  }
0x32: {  	s10 =	sld [smem:$0x3FB6];
	_ =	sdelay $0x3  }
0x33: {  	p0 =	seq.s32 s10, $0x1;
	s10 =	sld [smem:$0x3FB8];
	_ =	sdelay $0x3  }
0x34: {  	[smem:$0x3FB8] =	sst s10  }
0x35: {  	s10 =	sld [smem:$0x3FB7];
	_ =	sdelay $0x3  }
0x36: {  	p1 =	seq.s32 s10, $0x1;
	s10 =	sld [smem:$0x3FB8];
	_ =	sdelay $0x3  }
0x37: {  	[smem:$0x3FB8] =	sst s10  }
0x38: {  	s10 =	sld [smem:$0x3FB9]  }
0x39: {  	_ = 	snop;
	(pc) =	sbr.ind lr, $3  }
0x3a: {  	_ = 	snop  }
0x3b: {  	_ = 	snop  }
0x3c: {  	p2 =	seq.s32 s10, $0x1;
	s10 =	sld [smem:$0x3FB8]  }
0x3d: {  	_ =	shalt  }
0x3e: {  	_ =	shalt  }
0x3f: {  	_ =	shalt  }
0x40: {  	_ =	shalt  }
0x41: {  	_ =	shalt  }
0x42: {  	_ =	shalt  }
0x43: {  	_ =	shalt  }
0x44: {  	_ =	shalt  }
0x45: {  	_ =	shalt  }
0x46: {  	_ =	shalt  }
0x47: {  	_ =	shalt  }
0x48: {  	_ =	shalt  }
0x49: {  	_ =	shalt  }
0x4a: {  	_ =	shalt  }
0x4b: {  	_ =	shalt  }
0x4c: {  	_ =	shalt  }
0x4d: {  	_ =	shalt  }
0x4e: {  	_ =	shalt  }
0x4f: {  	_ =	shalt  }
0x50: {  	_ =	shalt  }
0x51: {  	_ =	shalt  }
0x52: {  	_ =	shalt  }
0x53: {  	_ =	shalt  }
0x54: {  	_ =	shalt  }
0x55: {  	_ =	shalt  }
0x56: {  	_ =	shalt  }
0x57: {  	_ =	shalt  }
0x58: {  	_ =	shalt  }
0x59: {  	_ =	shalt  }
0x5a: {  	_ =	shalt  }
0x5b: {  	_ =	shalt  }
0x5c: {  	_ =	shalt  }
0x5d: {  	_ =	shalt  }
0x5e: {  	_ =	shalt  }
0x5f: {  	_ =	shalt  }
0x60: {  	_ =	shalt  }
0x61: {  	_ =	shalt  }
0x62: {  	_ =	shalt  }
0x63: {  	_ =	shalt  }
0x64: {  	_ =	shalt  }
0x65: {  	_ =	shalt  }
0x66: {  	_ =	shalt  }
0x67: {  	_ =	shalt  }
0x68: {  	_ =	shalt  }
0x69: {  	_ =	shalt  }
0x6a: {  	_ =	shalt  }
0x6b: {  	_ =	shalt  }
0x6c: {  	_ =	shalt  }
0x6d: {  	_ =	shalt  }
0x6e: {  	_ =	shalt  }
0x6f: {  	_ =	shalt  }
0x70: {  	_ =	shalt  }
0x71: {  	_ =	shalt  }
0x72: {  	_ =	shalt  }
0x73: {  	_ =	shalt  }
0x74: {  	_ =	shalt  }
0x75: {  	_ =	shalt  }
0x76: {  	_ =	shalt  }
0x77: {  	_ =	shalt  }
0x78: {  	_ =	shalt  }
0x79: {  	_ =	shalt  }
0x7a: {  	_ =	shalt  }
0x7b: {  	_ =	shalt  }
0x7c: {  	_ =	shalt  }
0x7d: {  	_ =	shalt  }
0x7e: {  	_ =	shalt  }
0x7f: {  	_ =	shalt  }
0x80: {  	_ =	shalt  }
0x81: {  	_ =	shalt  }
0x82: {  	_ =	shalt  }
0x83: {  	_ =	shalt  }
0x84: {  	_ =	shalt  }
0x85: {  	_ =	shalt  }
0x86: {  	_ =	shalt  }
0x87: {  	_ =	shalt  }
.Lfunc_end0:
.L_simem_size_0:
called_computation.1_lowered:
.L_overlay_start_0:
0x88: {  	s2 =	sld [smem:$0x3FD9]  }
0x89: {  	s3 =	sld [smem:$0x3FFE];
	_ =	sdelay $0x1  }
0x8a: {  	s1 =	srdreg.scid  }
0x8b: {  	s0 =	sand.u32 $0x1, s1  }
0x8c: {  	s15 =	sshll.u32 s0, $0xA;
	s2 =	sadd.s32 s3, s2  }
0x8d: {  	s2 =	sadd.s32 s2, s15  }
0x8e: {  	[smem:$0x3FC4] =	sst s2  }
0x8f: {  	_ = 	snop  }
0x90: {  	s2 =	sld [smem:$0x3FD0];
	_ =	sdelay $0x2  }
0x91: {  	s16 =	simm.s32 $0xB;
	s4 =	simm.s32 $0x10  }
0x92: {  	[smem:s4], [sflag:s16] =	dma.local [hbm:s2], $0x1  }
0x93: {  	_ =	swait.eq [sflag:s16], $0x1  }
0x94: {  	[sflag:s16] =	ssyncset.done $0x0  }
0x95: {  	[sflag:s16] =	ssyncadd.s32 $0xFFFFFFFF  }
0x96: {  	s17 =	sld [smem:$0x11];
	(tm) =	ssettm $0x1  }
0x97: {  	s18 =	sld [smem:$0x3FFB];
	_ =	sdelay $0x3  }
0x98: {  	_ =	strace s18  }
0x99: {  	s2 =	sld [smem:$0x3FFC];
	_ =	sdelay $0x3  }
0x9a: {  	_ =	strace s2  }
0x9b: {  	s2 =	sld [smem:$0x3FFD];
	_ =	sdelay $0x3  }
0x9c: {  	_ =	strace s2  }
0x9d: {  	_ =	strace $0x8FFFFFFF  }
0x9e: {  	s19 =	sld [smem:$0x3FDB];
	_ =	sdelay $0x1  }
0x9f: {  	s20 =	simm.s32 $_scs_section_size  }
0xa0: {  	s5 =	simm.s32 $_size__tile_overlayer_lowered;
	s6 =	simm.s32 $_tile_overlayer_lowered  }
0xa1: {  	s7 =	simm.s32 $0x1BFF;
	s21 =	sshll.u32 s6, $0x1;
	s4 =	sadd.s32 s20, s19  }
0xa2: {  	s22 =	simm.s32 $0x0;
	s5 =	sshll.u32 s5, $0x1;
	s6 =	sadd.s32 s21, s4  }
0xa3: {  	[timem:s22], [sflag:s7] =	dma.local [hbm:s6], s5  }
0xa4: {  	_ =	swait.ge [sflag:s7], s5  }
0xa5: {  	s5 =	ssub.s32 $0x0, s5;
	[sflag:s7] =	ssyncset.done $0x0  }
0xa6: {  	[sflag:s7] =	ssyncadd.s32 s5;
	_ =	sdelay $0x1  }
0xa7: {  	s23 =	simm.s32 $0x1B8B  }
0xa8: {  	_ =	swait.ge [sflag:s23], $0x1  }
0xa9: {  	[sflag:s23] =	ssyncset.done $0x0  }
0xaa: {  	[sflag:s23] =	ssyncadd.s32 $0xFFFFFFFF  }
0xab: {  	s5 =	sld [smem:$0x0]  }
0xac: {  	s6 =	sand.u32 $0xFFFFFFFE, s1  }
0xad: {  	p0 =	sne.s32 s1, s6  }
0xae: {  	s6 =	sshll.u32 @p0 s6, $0xE  }
0xaf: {  	s6 =	sadd.s32 @p0 $0x11B8D, s6;
	s7 =	sshll.u32 @p0 s5, $0x11  }
0xb0: {  	s6 =	sor.u32 @p0 s7, s6  }
0xb1: {  	[sflag:s6] =	ssyncadd.remote.s32 @p0 $0x1;
	_ =	sdelay $0x1  }
0xb2: {  	s6 =	simm.s32 @p0 $0x1B8D  }
0xb3: {  	_ =	swait.eq @p0 [sflag:s6], $0x1  }
0xb4: {  	[sflag:s6] =	ssyncadd.s32 @p0 $0xFFFFFFFF  }
0xb5: {  	s7 =	sshll.u32 @!p0 s1, $0xE  }
0xb6: {  	s7 =	sor.u32 @!p0 $0x4000, s7;
	s6 =	simm.s32 @!p0 $0x1B8D  }
0xb7: {  	s5 =	sshll.u32 @!p0 s5, $0x11;
	s7 =	sadd.s32 @!p0 $0x11B8D, s7;
	_ =	swait.eq @!p0 [sflag:s6], $0x1  }
0xb8: {  	s5 =	sor.u32 @!p0 s5, s7;
	[sflag:s6] =	ssyncadd.s32 @!p0 $0xFFFFFFFF  }
0xb9: {  	s25 =	simm.s32 $0x1B8E;
	s24 =	sld [smem:$0x3FFE];
	[sflag:s5] =	ssyncadd.remote.s32 @!p0 $0x1  }
0xba: {  	s26 =	simm.s32 $execute0_lowered;
	[smem:$0x3FD2] =	sst s25  }
0xbb: {  	s6 =	sshll.u32 s26, $0x1;
	_ =	strace $0x80000049;
	[dreg:$0x1] =	wrdreg $0xFFFFFFFF  }
0xbc: {  	s28 =	simm.s32 $_size_execute0_lowered;
	s4 =	sadd.s32 s4, s6;
	[dreg:$0x0] =	wrdreg $0x0  }
0xbd: {  	s6 =	sshll.u32 s28, $0x1;
	[dreg:$0x2] =	wrdreg s4  }
0xbe: {  	[dreg:$0x3] =	wrdreg s6  }
0xbf: {  	[dreg:$0x4] =	wrdreg $0xC0  }
0xc0: {  	_ =	task [dreg:s22], $0x5FFFF  }
0xc1: {  	[dreg:$0x1] =	wrdreg $0xFFFFFFFF  }
0xc2: {  	[dreg:$0x0] =	wrdreg $0x60  }
0xc3: {  	[dreg:$0x2] =	wrdreg s24  }
0xc4: {  	[dreg:$0x3] =	wrdreg s17  }
0xc5: {  	[dreg:$0x4] =	wrdreg $0xA  }
0xc6: {  	_ =	task.clear_ibuf [dreg:s22], $0x5FFFF;
	_ =	strace $0x90000049  }
0xc7: {  	s29 =	simm.s32 $0xA;
	_ =	strace $0x8000004B  }
0xc8: {  	_ =	swait.ge [sflag:s29], $0x1  }
0xc9: {  	[sflag:s29] =	ssyncadd.s32 $0xFFFFFFFF  }
0xca: {  	_ =	strace $0x9000004B  }
0xcb: {  	_ =	sfence  }
0xcc: {  	s30 =	sld [smem:$0x0];
	_ =	sdelay $0x2  }
0xcd: {  	s31 =	sshll.u32 s1, $0xD;
	s1 =	sshrl.u32 s1, $0x2  }
0xce: {  	s4 =	sand.u32 $0x4000, s31;
	s1 =	sadd.s32 s1, s30  }
0xcf: {  	s0 =	sor.u32 s4, s0;
	s1 =	sshll.u32 s1, $0x11  }
0xd0: {  	s0 =	sor.u32 s1, s0  }
0xd1: {  	s0 =	sadd.s32 $0x8F2B, s0  }
0xd2: {  	[sflag:s0] =	ssyncadd.remote.s32 $0x1  }
0xd3: {  	_ =	sfence.sel $0xFFFF  }
0xd4: {  	[dreg:$0x0] =	wrdreg $0xFFFFFFFF;
	(pc) =	sbr.abs _section_cstart, $3  }
0xd5: {  	[dreg:$0x1] =	wrdreg $0xFFFFFFFF  }
0xd6: {  	_ =	task.clear_ibuf [dreg:s22], $0x2FFFF;
	_ =	strace $0x9FFFFFFF  }
0xd7: {  	(tm) =	ssettm $0x7FFFFFFF  }
tec
execute0_lowered:
.L_overlay_start_1:
0x0: {  	(tag) =	ssettag $0x1  }
0x1: {  	s4 =	rddreg [dreg:$0x0]  }
0x2: {  	s2 =	rddreg [dreg:$0x1]  }
0x3: {  	s0 =	rddreg [dreg:$0x2];
	s3 =	simm.s32 $0x0;
	s5 =	srdreg.scid  }
0x4: {  	s1 =	stileid.u32;
	s9 =	simm.s32 $0x2000;
	s10 =	simm.s32 $0x4000  }
0x5: {  	[smem:$0x7FF] =	sst s3;
	s5 =	sand.u32 $0x1, s5;
	s6 =	sshll.u32 s1, $0x1  }
0x6: {  	s11 =	simm.s32 $0x0;
	_ =	strace $0x8000004A;
	s6 =	sor.u32 s5, s6  }
0x7: {  	s5 =	ssub.s32 $0x2, s5;
	s7 =	sshll.u32 s6, $0xA;
	s6 =	sshll.u32 s6, $0x7  }
0x8: {  	s31 =	sshrl.u32 s5, $0x1;
	s7 =	sadd.s32 s7, s4;
	s6 =	sadd.s32 s6, s4  }
0x9: {  	s8 =	ssub.s32 s5, s31;
	s4 =	sadd.s32 $0xAA00, s7;
	s5 =	sadd.s32 $0x13A00, s7  }
0xa: {  	v0 =	vlaneseq.u32;
	s6 =	sadd.s32 $0x12A00, s6;
	s7 =	smax.u32 s8, $0x1;
	s8 =	simm.s32 $0x1  }
.LBB2_1:
0xb: {  	[tilespmem:s3], [sflag:$0x1] =	stream.linear.gather [hbm4b:s4+s3], $0x2000, $0x38;
	[tilespmem:$0x4400] =	vst v63  }
0xc: {  	_ =	swait.ge [sflag:s8], $0x2000  }
0xd: {  	[sflag:s8] =	ssyncset.done $0x0  }
0xe: {  	[sflag:s8] =	ssyncadd.s32 $0xFFFFE000  }
0xf: {  	[tilespmem:s9], [sflag:$0x1] =	stream.linear.gather [hbm4b:s2+s3], $0x2000, $0x38;
	[tilespmem:$0x4400] =	vst v63  }
0x10: {  	_ =	swait.ge [sflag:s8], $0x2000  }
0x11: {  	[sflag:s8] =	ssyncset.done $0x0  }
0x12: {  	s12 =	simm.s32 $0x0;
	s13 =	simm.s32 $0x0;
	[sflag:s8] =	ssyncadd.s32 $0xFFFFE000  }
.LBB2_2:
0x13: {  	v2 =	vld [tilespmem:s12+$0x0]  }
0x14: {  	s17 =	sadd.s32 $0x80, s12  }
0x15: {  	v23 =	vld [tilespmem:s17+$0x0];
	_ =	sdelay $0x1  }
0x16: {  	v12 =	vimm.f32 $-Inf;
	v1 =	vimm.s32 $0x0  }
0x17: {  	s14 =	simm.s32 $0x0;
	v9 =	vimm.s32 $0x0;
	v26 =	vimm.f32 $-Inf;
	vm0 =	vgt.f32 v2, v12  }
0x18: {  	v3 =	vsel vm0, v12, v2;
	v6 =	vnsel vm0, s14, v1;
	v21 =	vsel vm0, v2, v12  }
0x19: {  	v8 =	vsel vm0, s14, v1;
	vm1 =	vgt.f32 v3, v12;
	vm0 =	vgt.f32 v23, v21  }
0x1a: {  	v4 =	vsel vm1, v12, v3;
	v7 =	vsel vm1, v1, v6;
	v20 =	vsel vm1, v3, v12  }
0x1b: {  	s15 =	simm.s32 $0x1;
	v6 =	vsel vm1, v6, v1;
	v24 =	vsel vm0, v21, v23;
	vm2 =	vgt.f32 v4, v12  }
0x1c: {  	v10 =	vnsel vm0, s15, v8;
	vm1 =	vgt.f32 v24, v20;
	v5 =	vsel vm2, v12, v4  }
0x1d: {  	v2 =	vsel vm2, v1, v7;
	v17 =	vsel vm2, v4, v12;
	vm3 =	vgt.f32 v5, v12  }
0x1e: {  	v3 =	vsel vm2, v7, v1;
	v25 =	vsel vm1, v20, v24;
	v19 =	vsel vm3, v12, v5  }
0x1f: {  	vm2 =	vgt.f32 v25, v17;
	v16 =	vsel vm3, v5, v12;
	vm7 =	vgt.f32 v19, v12  }
0x20: {  	v4 =	vsel vm3, v2, v1;
	v27 =	vsel vm2, v17, v25;
	v7 =	vsel vm7, v12, v19  }
0x21: {  	v2 =	vsel vm3, v1, v2;
	vm3 =	vgt.f32 v27, v16;
	vm4 =	vgt.f32 v7, v12  }
0x22: {  	v14 =	vsel vm7, v1, v2;
	v18 =	vsel vm4, v7, v12;
	v7 =	vsel vm4, v12, v7  }
0x23: {  	v5 =	vsel vm7, v2, v1;
	v15 =	vsel vm4, v1, v14;
	vm6 =	vgt.f32 v7, v12  }
0x24: {  	v28 =	vsel vm3, v16, v27;
	v2 =	vsel vm6, v15, v1;
	v29 =	vsel vm6, v12, v7  }
0x25: {  	s16 =	simm.s32 $0x2;
	s17 =	sadd.s32 $0x80, s17;
	s14 =	sshll.u32 s13, $0x4;
	v13 =	vmovc v4;
	v11 =	vmovc v5;
	v22 =	vsel vm6, v7, v12;
	v7 =	vimm.s32 $0x0;
	vm5 =	vgt.f32 v29, v12  }
.LBB2_3:
0x26: {  	v30 =	vld [tilespmem:s17+$0x0];
	p0 =	sne.s32 s16, $0x3F;
	v1 =	vsel vm4, v14, v1;
	v14 =	vsel vm6, v9, v15;
	v12 =	vsel vm5, v29, v12;
	v9 =	vmovc v2;
	s18 =	smov.u32 s16;
	s16 =	sadd.s32 $0x1, s16  }
0x27: {  	v15 =	vsel vm1, v6, v10;
	v26 =	vsel vm7, v19, v26;
	v19 =	vmovc v28;
	v7 =	vsel vm5, v14, v7  }
0x28: {  	v21 =	vsel vm0, v23, v21;
	v20 =	vsel vm1, v24, v20;
	v14 =	vsel vm2, v3, v15  }
0x29: {  	v17 =	vsel vm2, v25, v17;
	v16 =	vsel vm3, v27, v16;
	v3 =	vsel vm2, v15, v3  }
0x2a: {  	v8 =	vsel vm0, s15, v8;
	v6 =	vsel vm1, v10, v6;
	s15 =	smov.u32 s18;
	v4 =	vsel vm3, v14, v4  }
0x2b: {  	v14 =	vsel vm3, v13, v14;
	v13 =	vmovc v4;
	vm0 =	vgt.f32 v30, v21;
	v23 =	vmov v30  }
0x2c: {  	vm7 =	vgt.f32 v19, v26;
	v24 =	vsel vm0, v21, v23;
	v10 =	vnsel vm0, s15, v8  }
0x2d: {  	v15 =	vsel vm7, v26, v19;
	v5 =	vsel vm7, v14, v5;
	vm1 =	vgt.f32 v24, v20  }
.Ltmp0:
0x2e: {  	v14 =	vsel vm7, v11, v14;
	vm4 =	vgt.f32 v15, v18;
	v11 =	vmovc v5;
	v25 =	vsel vm1, v20, v24;
	(pc) =	sbr.rel @p0 .LBB2_3-.Ltmp0, $4  }
0x2f: {  	v30 =	vsel vm4, v18, v15;
	v18 =	vsel vm4, v15, v18;
	vm2 =	vgt.f32 v25, v17  }
0x30: {  	v15 =	vsel vm4, v1, v14;
	vm6 =	vgt.f32 v30, v22;
	v27 =	vsel vm2, v17, v25  }
0x31: {  	v2 =	vsel vm6, v15, v2;
	v29 =	vsel vm6, v22, v30;
	vm3 =	vgt.f32 v27, v16  }
0x32: {  	s17 =	sadd.s32 $0x80, s17;
	v22 =	vsel vm6, v30, v22;
	vm5 =	vgt.f32 v29, v12;
	v28 =	vsel vm3, v16, v27  }
0x33: {  	v21 =	vsel vm0, v23, v21  }
0x34: {  	v20 =	vsel vm1, v24, v20;
	v23 =	vsub.f32 v21, v21  }
0x35: {  	v19 =	vsel vm7, v19, v26;
	v20 =	vsub.f32 v20, v21  }
0x36: {  	v17 =	vsel vm2, v25, v17;
	v16 =	vsel vm3, v27, v16;
	v23 =	vmul.f32 $1.442695020e+00, v23  }
0x37: {  	vm9 =	vgt.f32 v28, v19;
	v17 =	vsub.f32 v17, v21;
	v20 =	vmul.f32 $1.442695020e+00, v20  }
0x38: {  	v16 =	vsub.f32 v16, v21;
	v62 =	vsel vm9, v19, v28;
	(erf) = vpow2.f32 v23  }
0x39: {  	v19 =	vsel vm9, v28, v19;
	v17 =	vmul.f32 $1.442695020e+00, v17;
	(erf) = vpow2.f32 v20  }
0x3a: {  	v12 =	vsel vm5, v29, v12;
	vm15 =	vgt.f32 v62, v18;
	v28 =	vsub.f32 v19, v21  }
0x3b: {  	v16 =	vmul.f32 $1.442695020e+00, v16;
	v63 =	vsel vm15, v18, v62;
	(erf) = vpow2.f32 v17  }
0x3c: {  	v29 =	vsel vm15, v62, v18;
	vm8 =	vgt.f32 v63, v22;
	v31 =	vmul.f32 $1.442695020e+00, v28  }
0x3d: {  	v32 =	vsub.f32 v29, v21;
	v30 =	vsel vm8, v22, v63;
	(erf) = vpow2.f32 v16  }
0x3e: {  	v33 =	vsel vm8, v63, v22;
	vm10 =	vgt.f32 v30, v12  }
0x3f: {  	v34 =	vmul.f32 $1.442695020e+00, v32;
	v35 =	vsub.f32 v33, v21;
	(erf) = vpow2.f32 v31  }
0x40: {  	v12 =	vsel vm10, v30, v12  }
0x41: {  	v37 =	vmul.f32 $1.442695020e+00, v35;
	v12 =	vsub.f32 v12, v21;
	v36 =	vpop (erf);
	(erf) = vpow2.f32 v34  }
0x42: {  	v38 =	vpop (erf)  }
0x43: {  	v12 =	vmul.f32 $1.442695020e+00, v12;
	(erf) = vpow2.f32 v37;
	v39 =	vadd.f32 v38, v36  }
0x44: {  	v40 =	vpop (erf)  }
0x45: {  	(erf) = vpow2.f32 v12;
	v41 =	vadd.f32 v40, v39  }
0x46: {  	v42 =	vpop (erf)  }
0x47: {  	v12 =	vadd.f32 v42, v41  }
0x48: {  	v43 =	vpop (erf)  }
0x49: {  	v12 =	vadd.f32 v43, v12  }
0x4a: {  	v44 =	vpop (erf)  }
0x4b: {  	v12 =	vadd.f32 v44, v12  }
0x4c: {  	v45 =	vpop (erf)  }
0x4d: {  	v12 =	vadd.f32 v45, v12  }
0x4e: {  	v46 =	vpop (erf)  }
0x4f: {  	v12 =	vadd.f32 v46, v12;
	_ =	sdelay $0x1  }
0x50: {  	(erf) = vrcp.f32 v12;
	_ =	sdelay $0x4  }
0x51: {  	v8 =	vsel vm0, s15, v8  }
0x52: {  	v47 =	vor.u32 s14, v0;
	v48 =	vshll.u32 v8, $0x7  }
0x53: {  	v49 =	vsel vm1, v10, v6;
	v24 =	vadd.s32 v47, v48  }
0x54: {  	v50 =	vsel vm1, v6, v10;
	v51 =	vshll.u32 v49, $0x7  }
0x55: {  	v52 =	vsel vm2, v50, v3;
	v10 =	vadd.s32 v47, v51;
	v53 =	vpop (erf)  }
0x56: {  	v3 =	vsel vm2, v3, v50;
	v55 =	vshll.u32 v52, $0x7;
	v54 =	vmul.f32 v53, v36  }
0x57: {  	v4 =	vsel vm3, v3, v4;
	v18 =	vadd.s32 v47, v55  }
0x58: {  	v3 =	vsel vm3, v13, v3;
	v57 =	vshll.u32 v4, $0x7;
	v56 =	vmul.f32 v53, v38;
	[tilespmem:v24+s9+$0x0] =	vst.idx.msk $0xffff, v54  }
0x59: {  	v1 =	vsel vm4, v14, v1;
	v5 =	vsel vm9, v3, v5;
	v58 =	vadd.s32 v47, v57;
	[tilespmem:s14+$0x4000] =	vst v8  }
0x5a: {  	v3 =	vsel vm9, v11, v3;
	v60 =	vshll.u32 v5, $0x7;
	v59 =	vmul.f32 v53, v40;
	[tilespmem:v10+s9+$0x0] =	vst.idx.msk $0xffff, v56  }
0x5b: {  	v9 =	vsel vm6, v9, v15;
	v11 =	vsel vm15, v3, v1;
	v10 =	vadd.s32 v47, v60;
	[tilespmem:s14+$0x4080] =	vst v49  }
0x5c: {  	v1 =	vsel vm15, v1, v3;
	v61 =	vshll.u32 v11, $0x7;
	v3 =	vmul.f32 v53, v42;
	[tilespmem:v18+s9+$0x0] =	vst.idx.msk $0xffff, v59  }
0x5d: {  	v7 =	vsel vm5, v9, v7;
	v62 =	vsel vm8, v1, v2;
	v6 =	vadd.s32 v47, v61;
	[tilespmem:s14+$0x4100] =	vst v52  }
0x5e: {  	v1 =	vsel vm8, v2, v1;
	v2 =	vmul.f32 v53, v43;
	[tilespmem:v58+s9+$0x0] =	vst.idx.msk $0xffff, v3;
	v3 =	vshll.u32 v62, $0x7  }
0x5f: {  	v1 =	vsel vm10, v1, v7;
	[tilespmem:s14+$0x4180] =	vst v4;
	v3 =	vadd.s32 v47, v3  }
0x60: {  	v63 =	vshll.u32 v1, $0x7;
	[tilespmem:v10+s9+$0x0] =	vst.idx.msk $0xffff, v2;
	v2 =	vmul.f32 v53, v44  }
0x61: {  	s13 =	sadd.s32 $0x1, s13;
	v4 =	vadd.s32 v47, v63;
	[tilespmem:s14+$0x4200] =	vst v5  }
0x62: {  	p0 =	sne.s32 s13, $0x8;
	[tilespmem:v6+s9+$0x0] =	vst.idx.msk $0xffff, v2;
	v2 =	vmul.f32 v53, v45  }
.Ltmp1:
0x63: {  	[tilespmem:s14+$0x4280] =	vst v11;
	(pc) =	sbr.rel @p0 .LBB2_2-.Ltmp1, $4  }
0x64: {  	[tilespmem:v3+s9+$0x0] =	vst.idx.msk $0xffff, v2;
	v2 =	vmul.f32 v53, v46  }
0x65: {  	[tilespmem:s14+$0x4300] =	vst v62  }
0x66: {  	[tilespmem:v4+s9+$0x0] =	vst.idx.msk $0xffff, v2  }
0x67: {  	s12 =	sadd.s32 $0x10, s12;
	[tilespmem:s14+$0x4380] =	vst v1  }
0x68: {  	[hbm4b:s5+s3] =	stream.linear.scatter [tilespmem:s9], [sflag:$0x1], $0x2000, $0x38;
	[tilespmem:$0x4400] =	vst v63  }
0x69: {  	s11 =	sadd.s32 $0x1, s11;
	_ =	swait.ge [sflag:s8], $0x2000  }
0x6a: {  	p0 =	sne.s32 s11, s7;
	[sflag:s8] =	ssyncset.done $0x0  }
.Ltmp2:
0x6b: {  	[sflag:s8] =	ssyncadd.s32 $0xFFFFE000;
	(pc) =	sbr.rel @p0 .LBB2_1-.Ltmp2, $4  }
0x6c: {  	[hbm4b:s6+s3] =	stream.linear.scatter [tilespmem:s10], [sflag:$0x1], $0x400, $0x38;
	[tilespmem:$0x4400] =	vst v63  }
0x6d: {  	_ =	swait.ge [sflag:s8], $0x400  }
0x6e: {  	[sflag:s8] =	ssyncset.done $0x0  }
0x6f: {  	[sflag:s8] =	ssyncadd.s32 $0xFFFFFC00  }
0x70: {  	_ =	sfence.sel $0x180000  }
0x71: {  	[bflag:$0x0] =	sbarrier.arrive $0xFFFF  }
0x72: {  	p0 =	sne.s32 s1, $0x0;
	_ =	strace $0x9000004A  }
0x73: {  	s0 =	sadd.s32 @!p0 $0x100000, s0;
	[bflag:$0x2] =	sbarrier.arrive $0xFFFF  }
0x74: {  	[sflag:s0] =	ssyncadd.tile.s32 @!p0 $0x1;
	_ =	shalt  }
.Lfunc_end2:
_tile_overlayer_lowered:
.L_overlay_start_2:
0x75: {  	(tag) =	ssettag $0x2  }
0x76: {  	s0 =	rddreg [dreg:$0x0];
	s2 =	stileid.u32  }
0x77: {  	s1 =	rddreg [dreg:$0x1];
	p0 =	sne.s32 s2, $0x0  }
0x78: {  	s3 =	rddreg [dreg:$0x2];
	[bflag:$0x3] =	sbarrier.arrive $0xFFFF;
	s2 =	simm.s32 @!p0 $0x1C01  }
0x79: {  	[timem:s3], [sflag:s2] =	dma.local @!p0 [hbm:s0], s1  }
0x7a: {  	s0 =	simm.s32 @!p0 $0x1  }
0x7b: {  	_ =	swait.ge @!p0 [sflag:s0], s1  }
0x7c: {  	s1 =	ssub.s32 @!p0 $0x0, s1;
	[sflag:s0] =	ssyncset.done @!p0 $0x0  }
0x7d: {  	[sflag:s0] =	ssyncadd.s32 @!p0 s1  }
0x7e: {  	[bflag:$0x3] =	sbarrier.arrive $0xFFFF  }
0x7f: {  	_ =	shalt  }

</sc_bundles>
